<compile_context>
chip_gen: v7x
topology: tpu7x:2x2x1
jax: 0.10.2.dev20260603
libtpu: 0.0.44.dev20260713+nightly
codegen_flags: <defaults>
</compile_context>

<pallas_src>
import numpy as np
import jax
import jax.numpy as jnp
from jax import lax
from jax.experimental import pallas as pl
from jax.experimental.pallas import tpu as pltpu
from jax.experimental.pallas import tpu_sc as plsc

_PAD_ID = 22
_X_ID = 21
_STOP_ID = 20
_B = 4096
_L = 1536
_NWORKERS = 32
_ROWS_PER = _B // _NWORKERS


def _packed_table():
    code = "FFLLSSSSYY**CC*WLLLLPPPPHHQQRRRRIIIMTTTTNNKKSSRRVVVVAAAADDEEGGGG"
    aa_order = "ACDEFGHIKLMNPQRSTVWY"
    aa_to_id = {a: i for i, a in enumerate(aa_order)}
    aa_to_id["*"] = _STOP_ID
    tab = np.full((5, 5, 5), _X_ID, dtype=np.int32)
    idx_map = {0: 2, 1: 1, 2: 3, 3: 0}
    for a in range(4):
        for b in range(4):
            for c in range(4):
                k = idx_map[a] * 16 + idx_map[b] * 4 + idx_map[c]
                tab[a, b, c] = aa_to_id[code[k]]
    rc = np.array([3, 2, 1, 0, 4])
    n = np.arange(5)
    a, b, c, d, e = np.meshgrid(n, n, n, n, n, indexing="ij")
    f0 = tab[a, b, c]
    r0 = tab[rc[c], rc[b], rc[a]]
    f1 = tab[b, c, d]
    r1 = tab[rc[d], rc[c], rc[b]]
    f2 = tab[c, d, e]
    r2 = tab[rc[e], rc[d], rc[c]]
    packed = f0 | (r0 << 5) | (f1 << 10) | (r1 << 15) | (f2 << 20) | (r2 << 25)
    out = np.zeros(3136, dtype=np.int32)
    out[:3125] = packed.reshape(-1)
    return out


_CTAB = _packed_table()


def _sc_body(
    nuc_hbm, ctab_hbm, out_hbm, rb0, rb1, ob0, ob1, ctab_v, si0, si1, so0, so1
):
    wid = lax.axis_index("s") * 2 + lax.axis_index("c")
    pltpu.sync_copy(ctab_hbm, ctab_v)
    lane = lax.iota(jnp.int32, 16)
    iota3 = lane * 3
    pad = jnp.int32(_PAD_ID)
    five_bits = jnp.int32(31)
    base_row = wid * _ROWS_PER
    pad_frame = jnp.where(lane == 0, 4, 5)
    pad_col = jnp.full((16,), 511, jnp.int32)
    for ob in (ob0, ob1):
        plsc.store_scatter(
            ob, [pad_frame, pad_col], jnp.full((16,), pad), mask=lane < 2
        )
    for rb in (rb0, rb1):
        rb[pl.ds(_L, 16)] = jnp.zeros((16,), jnp.int32)

    def in_copy(row, rb, sem):
        return pltpu.make_async_copy(nuc_hbm.at[row], rb.at[pl.ds(0, _L)], sem)

    def out_copy(row, ob, sem):
        return pltpu.make_async_copy(ob, out_hbm.at[row], sem)

    fr0 = jnp.full((16,), 0, jnp.int32)
    fr1 = jnp.full((16,), 1, jnp.int32)
    fr2 = jnp.full((16,), 2, jnp.int32)
    fr3 = jnp.full((16,), 3, jnp.int32)
    fr4 = jnp.full((16,), 4, jnp.int32)
    fr5 = jnp.full((16,), 5, jnp.int32)

    def compute_row(rowbuf, outbuf):
        @plsc.parallel_loop(0, 32, unroll=4)
        def m_body(m):
            posv = m * 48 + iota3
            g0 = plsc.load_gather(rowbuf, [posv])
            g1 = plsc.load_gather(rowbuf, [posv + 1])
            g2 = plsc.load_gather(rowbuf, [posv + 2])
            g3 = plsc.load_gather(rowbuf, [posv + 3])
            g4 = plsc.load_gather(rowbuf, [posv + 4])
            idx5 = (g0 * 25 + g1 * 5 + g2) * 25 + (g3 * 5 + g4)
            t = plsc.load_gather(ctab_v, [idx5])
            col = m * 16
            kv = col + lane
            f0 = t & five_bits
            r0 = lax.shift_right_logical(t, 5) & five_bits
            f1 = lax.shift_right_logical(t, 10) & five_bits
            r1 = lax.shift_right_logical(t, 15) & five_bits
            f2 = lax.shift_right_logical(t, 20) & five_bits
            r2 = lax.shift_right_logical(t, 25)
            plsc.store_scatter(outbuf, [fr0, kv], f0)
            plsc.store_scatter(outbuf, [fr1, kv], f1)
            plsc.store_scatter(outbuf, [fr2, kv], f2)
            edge = kv <= 510
            plsc.store_scatter(outbuf, [fr3, 511 - kv], r0)
            plsc.store_scatter(outbuf, [fr5, 510 - kv], r1, mask=edge)
            plsc.store_scatter(outbuf, [fr4, 510 - kv], r2, mask=edge)

        fwd_pad_frame = jnp.where(lane == 0, 1, 2)
        plsc.store_scatter(
            outbuf,
            [fwd_pad_frame, jnp.full((16,), 511, jnp.int32)],
            jnp.full((16,), pad),
            mask=lane < 2,
        )

    in_copy(base_row, rb0, si0).start()
    in_copy(base_row + 1, rb1, si1).start()

    def pair_body(i, carry):
        for s, (rb, ob, si, so) in enumerate(
            ((rb0, ob0, si0, so0), (rb1, ob1, si1, so1))
        ):
            row = base_row + 2 * i + s
            in_copy(row, rb, si).wait()

            @pl.when(i > 0)
            def _():
                out_copy(row, ob, so).wait()

            compute_row(rb, ob)
            nxt = jnp.minimum(row + 2, _B - 1)
            in_copy(nxt, rb, si).start()
            out_copy(row, ob, so).start()
        return carry

    lax.fori_loop(0, _ROWS_PER // 2, pair_body, 0)
    last = base_row + _ROWS_PER - 2
    out_copy(last, ob0, so0).wait()
    out_copy(last + 1, ob1, so1).wait()
    in_copy(last, rb0, si0).wait()
    in_copy(last + 1, rb1, si1).wait()


def kernel(nucleotide_ids):
    ctab = jnp.asarray(_CTAB)
    mesh = plsc.VectorSubcoreMesh(core_axis_name="c", subcore_axis_name="s")
    run = pl.kernel(
        _sc_body,
        out_type=jax.ShapeDtypeStruct((_B, 6, 512), jnp.int32),
        mesh=mesh,
        scratch_types=[
            pltpu.VMEM((_L + 16,), jnp.int32),
            pltpu.VMEM((_L + 16,), jnp.int32),
            pltpu.VMEM((6, 512), jnp.int32),
            pltpu.VMEM((6, 512), jnp.int32),
            pltpu.VMEM((3136,), jnp.int32),
            pltpu.SemaphoreType.DMA,
            pltpu.SemaphoreType.DMA,
            pltpu.SemaphoreType.DMA,
            pltpu.SemaphoreType.DMA,
        ],
        compiler_params=pltpu.CompilerParams(needs_layout_passes=False),
    )
    aa_ids = run(nucleotide_ids, ctab)
    frame_lengths = jnp.broadcast_to(
        jnp.asarray([512, 511, 511, 512, 511, 511], jnp.int32), (_B, 6)
    )
    return aa_ids, frame_lengths

# --- scband reference (transcript-rebuilt; emitter-appended) ---
"""Pipeline reference for scband-six-frame-translator-48129403519512 (READ-ONLY COPY).

The authoritative reference and input builder live on the scoring server;
editing this copy changes nothing except your own understanding.
"""

import jax, jax.numpy as jnp
import numpy as np

MAX_AA_LENGTH = 512
PAD_ID = 22
X_ID = 21
STOP_ID = 20


def _build_codon_table():
    # Standard genetic code, 64-codon string indexed by TCAG order (T=0,C=1,A=2,G=3)
    code = "FFLLSSSSYY**CC*WLLLLPPPPHHQQRRRRIIIMTTTTNNKKSSRRVVVVAAAADDEEGGGG"
    aa_order = "ACDEFGHIKLMNPQRSTVWY"  # alphabetical 20 standard AAs: A=0 ... Y=19
    aa_to_id = {a: i for i, a in enumerate(aa_order)}
    aa_to_id['*'] = STOP_ID
    tab = np.full((5, 5, 5), X_ID, dtype=np.int32)  # any codon containing N -> X
    # our nucleotide ids: A=0, C=1, G=2, T=3, N=4 ; map to TCAG index
    idx_map = {0: 2, 1: 1, 2: 3, 3: 0}
    for a in range(4):
        for b in range(4):
            for c in range(4):
                k = idx_map[a] * 16 + idx_map[b] * 4 + idx_map[c]
                tab[a, b, c] = aa_to_id[code[k]]
    return jnp.asarray(tab)


def _translate_frame(nuc_ids, offset, codon_table):
    B, L = nuc_ids.shape
    usable = L - offset
    n_codons = usable // 3
    if n_codons <= 0:
        aa_ids = jnp.full((B, MAX_AA_LENGTH), PAD_ID, dtype=nuc_ids.dtype)
        lengths = jnp.zeros((B,), dtype=nuc_ids.dtype)
        return aa_ids, lengths
    start = offset
    end = start + n_codons * 3
    codons = nuc_ids[:, start:end].reshape(B, n_codons, 3)
    n1 = codons[:, :, 0]
    n2 = codons[:, :, 1]
    n3 = codons[:, :, 2]
    aa = codon_table[n1, n2, n3].astype(nuc_ids.dtype)
    actual_len = min(int(n_codons), MAX_AA_LENGTH)
    aa = aa[:, :actual_len]
    if actual_len < MAX_AA_LENGTH:
        pad = jnp.full((B, MAX_AA_LENGTH - actual_len), PAD_ID, dtype=nuc_ids.dtype)
        aa = jnp.concatenate([aa, pad], axis=1)
    lengths = jnp.full((B,), actual_len, dtype=nuc_ids.dtype)
    return aa, lengths


def setup_inputs(seed: int = 0) -> dict:
    key = jax.random.key(seed)
    nucleotide_ids = jax.random.randint(key, (4096, 1536), 0, 5, dtype=jnp.int32)
    return {"nucleotide_ids": nucleotide_ids}


def reference(nucleotide_ids):
    codon_table = _build_codon_table()
    rc_map = jnp.asarray([3, 2, 1, 0, 4], dtype=nucleotide_ids.dtype)
    complemented = rc_map[nucleotide_ids]
    rc_ids = complemented[:, ::-1]
    all_aa = []
    all_lengths = []
    for offset in range(3):
        aa, ln = _translate_frame(nucleotide_ids, offset, codon_table)
        all_aa.append(aa)
        all_lengths.append(ln)
    for offset in range(3):
        aa, ln = _translate_frame(rc_ids, offset, codon_table)
        all_aa.append(aa)
        all_lengths.append(ln)
    aa_ids = jnp.stack(all_aa, axis=1)
    frame_lengths = jnp.stack(all_lengths, axis=1)
    return aa_ids, frame_lengths

if __name__ == "__main__":
    import jax
    _d = setup_inputs()
    print(jax.jit(kernel)(*tuple(_d.values())))

</pallas_src>

<mosaic_0001>
#map = affine_map<(d0, d1) -> (0, 0)>
#map1 = affine_map<(d0, d1) -> (0)>
#map2 = affine_map<(d0, d1) -> (0, 0, 0)>
module attributes {stable_mosaic.version = 14 : i64} {
  func.func @_sc_body(%arg0: i32, %arg1: i32, %arg2: memref<4096x1536xi32, #tpu.memory_space<hbm>>, %arg3: memref<3136xi32, #tpu.memory_space<hbm>>, %arg4: memref<4096x6x512xi32, #tpu.memory_space<hbm>>, %arg5: memref<1552xi32, #tpu.memory_space<vmem>>, %arg6: memref<1552xi32, #tpu.memory_space<vmem>>, %arg7: memref<6x512xi32, #tpu.memory_space<vmem>>, %arg8: memref<6x512xi32, #tpu.memory_space<vmem>>, %arg9: memref<3136xi32, #tpu.memory_space<vmem>>, %arg10: memref<!tpu.dma_semaphore, #tpu.memory_space<semaphore_mem>>, %arg11: memref<!tpu.dma_semaphore, #tpu.memory_space<semaphore_mem>>, %arg12: memref<!tpu.dma_semaphore, #tpu.memory_space<semaphore_mem>>, %arg13: memref<!tpu.dma_semaphore, #tpu.memory_space<semaphore_mem>>) attributes {dimension_semantics = [#tpu.dimension_semantics<core_parallel>, #tpu.dimension_semantics<subcore_parallel>], iteration_bounds = array<i64: 2, 16>, scalar_prefetch = 0 : i64, scratch_operands = 9 : i64, tpu.core_type = #tpu.core_type<sc_vector_subcore>, window_params = [{transform_indices = #map}, {transform_indices = #map1}, {transform_indices = #map2}]} {
    %mul3A = arith.constant 2 : i32
    %mul3A_0 = arith.muli %arg1, %mul3A : i32
    %add3A = arith.addi %mul3A_0, %arg0 : i32
    "tpu.region"() ({
      %run_scoped3A = tpu.sem_alloc : memref<!tpu.dma_semaphore, #tpu.memory_space<semaphore_mem>>
      tpu.enqueue_dma source(%arg3 : memref<3136xi32, #tpu.memory_space<hbm>>) target(%arg9 : memref<3136xi32, #tpu.memory_space<vmem>>) target_semaphore(%run_scoped3A : memref<!tpu.dma_semaphore, #tpu.memory_space<semaphore_mem>>)
      tpu.wait_dma2 semaphore(%run_scoped3A : memref<!tpu.dma_semaphore, #tpu.memory_space<semaphore_mem>>) src(%arg3 : memref<3136xi32, #tpu.memory_space<hbm>>) dst(%arg9 : memref<3136xi32, #tpu.memory_space<vmem>>)
      tpu.yield
    }) : () -> ()
    %iota3A = tpu.iota {dimensions = array<i32: 0>} : vector<16xi32>
    %mul3A_1 = arith.constant 3 : i32
    %mul3A_2 = vector.broadcast %mul3A_1 : i32 to vector<16xi32>
    %mul3A_3 = arith.muli %iota3A, %mul3A_2 : vector<16xi32>
    %mul3A_4 = arith.constant 128 : i32
    %mul3A_5 = arith.muli %add3A, %mul3A_4 : i32
    %eq3A = arith.constant 0 : i32
    %eq3A_6 = vector.broadcast %eq3A : i32 to vector<16xi32>
    %eq3A_7 = arith.cmpi eq, %iota3A, %eq3A_6 : vector<16xi32>
    %jit3A = arith.constant 4 : i32
    %jit3A_8 = arith.constant 5 : i32
    %broadcast_in_dim3A = vector.broadcast %jit3A : i32 to vector<16xi32>
    %broadcast_in_dim3A_9 = vector.broadcast %jit3A_8 : i32 to vector<16xi32>
    %select_n3A = arith.select %eq3A_7, %broadcast_in_dim3A, %broadcast_in_dim3A_9 : vector<16xi1>, vector<16xi32>
    %broadcast_in_dim3A_10 = arith.constant 511 : i32
    %broadcast_in_dim3A_11 = vector.broadcast %broadcast_in_dim3A_10 : i32 to vector<16xi32>
    %broadcast_in_dim3A_12 = arith.constant 22 : i32
    %broadcast_in_dim3A_13 = vector.broadcast %broadcast_in_dim3A_12 : i32 to vector<16xi32>
    %lt3A = arith.constant 2 : i32
    %lt3A_14 = vector.broadcast %lt3A : i32 to vector<16xi32>
    %lt3A_15 = arith.cmpi slt, %iota3A, %lt3A_14 : vector<16xi32>
    tpu.vector_store_idx %arg7[%select_n3A, %broadcast_in_dim3A_11], %broadcast_in_dim3A_13 masked %lt3A_15 : memref<6x512xi32, #tpu.memory_space<vmem>>[vector<16xi32>, vector<16xi32>], vector<16xi32>, vector<16xi1>
    %broadcast_in_dim3A_16 = arith.constant 22 : i32
    %broadcast_in_dim3A_17 = vector.broadcast %broadcast_in_dim3A_16 : i32 to vector<16xi32>
    %lt3A_18 = arith.constant 2 : i32
    %lt3A_19 = vector.broadcast %lt3A_18 : i32 to vector<16xi32>
    %lt3A_20 = arith.cmpi slt, %iota3A, %lt3A_19 : vector<16xi32>
    tpu.vector_store_idx %arg8[%select_n3A, %broadcast_in_dim3A_11], %broadcast_in_dim3A_17 masked %lt3A_20 : memref<6x512xi32, #tpu.memory_space<vmem>>[vector<16xi32>, vector<16xi32>], vector<16xi32>, vector<16xi1>
    %broadcast_in_dim3A_21 = arith.constant 0 : i32
    %broadcast_in_dim3A_22 = vector.broadcast %broadcast_in_dim3A_21 : i32 to vector<16xi32>
    %swap3A = arith.constant 1536 : index
    %swap3A_23 = tpu.vector_load %arg5[%swap3A] {strides = array<i32>} : memref<1552xi32, #tpu.memory_space<vmem>>, vector<16xi32>,
    tpu.vector_store %arg5[%swap3A], %broadcast_in_dim3A_22 {strides = array<i32>} : memref<1552xi32, #tpu.memory_space<vmem>>, vector<16xi32>,
    %broadcast_in_dim3A_24 = arith.constant 0 : i32
    %broadcast_in_dim3A_25 = vector.broadcast %broadcast_in_dim3A_24 : i32 to vector<16xi32>
    %swap3A_26 = arith.constant 1536 : index
    %swap3A_27 = tpu.vector_load %arg6[%swap3A_26] {strides = array<i32>} : memref<1552xi32, #tpu.memory_space<vmem>>, vector<16xi32>,
    tpu.vector_store %arg6[%swap3A_26], %broadcast_in_dim3A_25 {strides = array<i32>} : memref<1552xi32, #tpu.memory_space<vmem>>, vector<16xi32>,
    %broadcast_in_dim3A_28 = arith.constant 0 : i32
    %broadcast_in_dim3A_29 = vector.broadcast %broadcast_in_dim3A_28 : i32 to vector<16xi32>
    %broadcast_in_dim3A_30 = arith.constant 1 : i32
    %broadcast_in_dim3A_31 = vector.broadcast %broadcast_in_dim3A_30 : i32 to vector<16xi32>
    %broadcast_in_dim3A_32 = arith.constant 2 : i32
    %broadcast_in_dim3A_33 = vector.broadcast %broadcast_in_dim3A_32 : i32 to vector<16xi32>
    %broadcast_in_dim3A_34 = arith.constant 3 : i32
    %broadcast_in_dim3A_35 = vector.broadcast %broadcast_in_dim3A_34 : i32 to vector<16xi32>
    %broadcast_in_dim3A_36 = arith.constant 4 : i32
    %broadcast_in_dim3A_37 = vector.broadcast %broadcast_in_dim3A_36 : i32 to vector<16xi32>
    %broadcast_in_dim3A_38 = arith.constant 5 : i32
    %broadcast_in_dim3A_39 = vector.broadcast %broadcast_in_dim3A_38 : i32 to vector<16xi32>
    %dma_start3A = arith.constant 0 : i32
    %dma_start3A_40 = tpu.memref_slice %arg5[%dma_start3A] : memref<1552xi32, #tpu.memory_space<vmem>> -> memref<1536xi32, #tpu.memory_space<vmem>>
    %dma_start3A_41 = arith.constant 0 : i32
    %dma_start3A_42 = tpu.memref_slice %arg2[%mul3A_5, %dma_start3A_41] : memref<4096x1536xi32, #tpu.memory_space<hbm>> -> memref<1x1536xi32, #tpu.memory_space<hbm>>
    %dma_start3A_43 = tpu.memref_squeeze %dma_start3A_42 : memref<1x1536xi32, #tpu.memory_space<hbm>> -> memref<1536xi32, #tpu.memory_space<hbm>>
    %dma_start3A_44 = arith.constant 0 : i32
    %dma_start3A_45 = tpu.memref_slice %arg5[%dma_start3A_44] : memref<1552xi32, #tpu.memory_space<vmem>> -> memref<1536xi32, #tpu.memory_space<vmem>>
    %dma_start3A_46 = arith.constant 0 : i32
    %dma_start3A_47 = tpu.memref_slice %arg2[%mul3A_5, %dma_start3A_46] : memref<4096x1536xi32, #tpu.memory_space<hbm>> -> memref<1x1536xi32, #tpu.memory_space<hbm>>
    %dma_start3A_48 = tpu.memref_squeeze %dma_start3A_47 : memref<1x1536xi32, #tpu.memory_space<hbm>> -> memref<1536xi32, #tpu.memory_space<hbm>>
    tpu.enqueue_dma source(%dma_start3A_48 : memref<1536xi32, #tpu.memory_space<hbm>>) target(%dma_start3A_45 : memref<1536xi32, #tpu.memory_space<vmem>>) target_semaphore(%arg10 : memref<!tpu.dma_semaphore, #tpu.memory_space<semaphore_mem>>)
    %add3A_49 = arith.constant 1 : i32
    %add3A_50 = arith.addi %mul3A_5, %add3A_49 : i32
    %dma_start3A_51 = arith.constant 0 : i32
    %dma_start3A_52 = tpu.memref_slice %arg6[%dma_start3A_51] : memref<1552xi32, #tpu.memory_space<vmem>> -> memref<1536xi32, #tpu.memory_space<vmem>>
    %dma_start3A_53 = arith.constant 0 : i32
    %dma_start3A_54 = tpu.memref_slice %arg2[%add3A_50, %dma_start3A_53] : memref<4096x1536xi32, #tpu.memory_space<hbm>> -> memref<1x1536xi32, #tpu.memory_space<hbm>>
    %dma_start3A_55 = tpu.memref_squeeze %dma_start3A_54 : memref<1x1536xi32, #tpu.memory_space<hbm>> -> memref<1536xi32, #tpu.memory_space<hbm>>
    %dma_start3A_56 = arith.constant 0 : i32
    %dma_start3A_57 = tpu.memref_slice %arg6[%dma_start3A_56] : memref<1552xi32, #tpu.memory_space<vmem>> -> memref<1536xi32, #tpu.memory_space<vmem>>
    %dma_start3A_58 = arith.constant 0 : i32
    %dma_start3A_59 = tpu.memref_slice %arg2[%add3A_50, %dma_start3A_58] : memref<4096x1536xi32, #tpu.memory_space<hbm>> -> memref<1x1536xi32, #tpu.memory_space<hbm>>
    %dma_start3A_60 = tpu.memref_squeeze %dma_start3A_59 : memref<1x1536xi32, #tpu.memory_space<hbm>> -> memref<1536xi32, #tpu.memory_space<hbm>>
    tpu.enqueue_dma source(%dma_start3A_60 : memref<1536xi32, #tpu.memory_space<hbm>>) target(%dma_start3A_57 : memref<1536xi32, #tpu.memory_space<vmem>>) target_semaphore(%arg11 : memref<!tpu.dma_semaphore, #tpu.memory_space<semaphore_mem>>)
    %scan3A = arith.constant 0 : i32
    %scan3A_61 = arith.constant 31 : i32
    %scan3A_62 = arith.constant 22 : i32
    %scan3A_63 = arith.constant 0 : i32
    %scan3A_64 = arith.constant 64 : i32
    %scan3A_65 = arith.addi %scan3A_63, %scan3A_64 : i32
    %scan3A_66 = arith.constant 1 : i32
    scf.for %scan3A_110 = %scan3A_63 to %scan3A_65 step %scan3A_66  : i32 {
      %mul3A_111 = arith.constant 2 : i32
      %mul3A_112 = arith.muli %mul3A_111, %scan3A_110 : i32
      %add3A_113 = arith.addi %mul3A_5, %mul3A_112 : i32
      %add3A_114 = arith.constant 0 : i32
      %add3A_115 = arith.addi %add3A_113, %add3A_114 : i32
      %dma_wait3A_116 = arith.constant 0 : i32
      %dma_wait3A_117 = tpu.memref_slice %arg5[%dma_wait3A_116] : memref<1552xi32, #tpu.memory_space<vmem>> -> memref<1536xi32, #tpu.memory_space<vmem>>
      %dma_wait3A_118 = arith.constant 0 : i32
      %dma_wait3A_119 = tpu.memref_slice %arg2[%add3A_115, %dma_wait3A_118] : memref<4096x1536xi32, #tpu.memory_space<hbm>> -> memref<1x1536xi32, #tpu.memory_space<hbm>>
      %dma_wait3A_120 = tpu.memref_squeeze %dma_wait3A_119 : memref<1x1536xi32, #tpu.memory_space<hbm>> -> memref<1536xi32, #tpu.memory_space<hbm>>
      %dma_wait3A_121 = arith.constant 0 : i32
      %dma_wait3A_122 = tpu.memref_slice %arg5[%dma_wait3A_121] : memref<1552xi32, #tpu.memory_space<vmem>> -> memref<1536xi32, #tpu.memory_space<vmem>>
      %dma_wait3A_123 = arith.constant 0 : i32
      %dma_wait3A_124 = tpu.memref_slice %arg2[%add3A_115, %dma_wait3A_123] : memref<4096x1536xi32, #tpu.memory_space<hbm>> -> memref<1x1536xi32, #tpu.memory_space<hbm>>
      %dma_wait3A_125 = tpu.memref_squeeze %dma_wait3A_124 : memref<1x1536xi32, #tpu.memory_space<hbm>> -> memref<1536xi32, #tpu.memory_space<hbm>>
      tpu.wait_dma2 semaphore(%arg10 : memref<!tpu.dma_semaphore, #tpu.memory_space<semaphore_mem>>) src(%dma_wait3A_125 : memref<1536xi32, #tpu.memory_space<hbm>>) dst(%dma_wait3A_122 : memref<1536xi32, #tpu.memory_space<vmem>>)
      %gt3A = arith.constant 0 : i32
      %gt3A_126 = arith.cmpi sgt, %scan3A_110, %gt3A : i32
      %convert_element_type3A = arith.extui %gt3A_126 : i1 to i32
      %cond3A = arith.constant 0 : i32
      %cond3A_127 = arith.cmpi ne, %convert_element_type3A, %cond3A : i32
      scf.if %cond3A_127 {
        %dma_wait3A_224 = arith.constant 0 : i32
        %dma_wait3A_225 = arith.constant 0 : i32
        %dma_wait3A_226 = tpu.memref_slice %arg4[%add3A_115, %dma_wait3A_224, %dma_wait3A_225] : memref<4096x6x512xi32, #tpu.memory_space<hbm>> -> memref<1x6x512xi32, #tpu.memory_space<hbm>>
        %dma_wait3A_227 = tpu.memref_squeeze %dma_wait3A_226 : memref<1x6x512xi32, #tpu.memory_space<hbm>> -> memref<6x512xi32, #tpu.memory_space<hbm>>
        %dma_wait3A_228 = arith.constant 0 : i32
        %dma_wait3A_229 = arith.constant 0 : i32
        %dma_wait3A_230 = tpu.memref_slice %arg4[%add3A_115, %dma_wait3A_228, %dma_wait3A_229] : memref<4096x6x512xi32, #tpu.memory_space<hbm>> -> memref<1x6x512xi32, #tpu.memory_space<hbm>>
        %dma_wait3A_231 = tpu.memref_squeeze %dma_wait3A_230 : memref<1x6x512xi32, #tpu.memory_space<hbm>> -> memref<6x512xi32, #tpu.memory_space<hbm>>
        tpu.wait_dma2 semaphore(%arg12 : memref<!tpu.dma_semaphore, #tpu.memory_space<semaphore_mem>>) src(%arg7 : memref<6x512xi32, #tpu.memory_space<vmem>>) dst(%dma_wait3A_231 : memref<6x512xi32, #tpu.memory_space<hbm>>)
      } else {
      }
      %parallel_loop3A = arith.constant 0 : i32
      %parallel_loop3A_128 = arith.constant 32 : i32
      %parallel_loop3A_129 = arith.constant 1 : i32
      scf.for %parallel_loop3A_224 = %parallel_loop3A to %parallel_loop3A_128 step %parallel_loop3A_129  : i32 {
        %parallel_loop3A_225 = arith.constant 48 : i32
        %parallel_loop3A_226 = arith.muli %parallel_loop3A_224, %parallel_loop3A_225 : i32
        %parallel_loop3A_227 = vector.broadcast %parallel_loop3A_226 : i32 to vector<16xi32>
        %parallel_loop3A_228 = arith.addi %parallel_loop3A_227, %mul3A_3 : vector<16xi32>
        %parallel_loop3A_229 = tpu.vector_load_idx %arg5[%parallel_loop3A_228] : memref<1552xi32, #tpu.memory_space<vmem>>[vector<16xi32>], vector<16xi32>,
        %parallel_loop3A_230 = arith.constant 1 : i32
        %parallel_loop3A_231 = vector.broadcast %parallel_loop3A_230 : i32 to vector<16xi32>
        %parallel_loop3A_232 = arith.addi %parallel_loop3A_228, %parallel_loop3A_231 : vector<16xi32>
        %parallel_loop3A_233 = tpu.vector_load_idx %arg5[%parallel_loop3A_232] : memref<1552xi32, #tpu.memory_space<vmem>>[vector<16xi32>], vector<16xi32>,
        %parallel_loop3A_234 = arith.constant 2 : i32
        %parallel_loop3A_235 = vector.broadcast %parallel_loop3A_234 : i32 to vector<16xi32>
        %parallel_loop3A_236 = arith.addi %parallel_loop3A_228, %parallel_loop3A_235 : vector<16xi32>
        %parallel_loop3A_237 = tpu.vector_load_idx %arg5[%parallel_loop3A_236] : memref<1552xi32, #tpu.memory_space<vmem>>[vector<16xi32>], vector<16xi32>,
        %parallel_loop3A_238 = arith.constant 3 : i32
        %parallel_loop3A_239 = vector.broadcast %parallel_loop3A_238 : i32 to vector<16xi32>
        %parallel_loop3A_240 = arith.addi %parallel_loop3A_228, %parallel_loop3A_239 : vector<16xi32>
        %parallel_loop3A_241 = tpu.vector_load_idx %arg5[%parallel_loop3A_240] : memref<1552xi32, #tpu.memory_space<vmem>>[vector<16xi32>], vector<16xi32>,
        %parallel_loop3A_242 = arith.constant 4 : i32
        %parallel_loop3A_243 = vector.broadcast %parallel_loop3A_242 : i32 to vector<16xi32>
        %parallel_loop3A_244 = arith.addi %parallel_loop3A_228, %parallel_loop3A_243 : vector<16xi32>
        %parallel_loop3A_245 = tpu.vector_load_idx %arg5[%parallel_loop3A_244] : memref<1552xi32, #tpu.memory_space<vmem>>[vector<16xi32>], vector<16xi32>,
        %parallel_loop3A_246 = arith.constant 25 : i32
        %parallel_loop3A_247 = vector.broadcast %parallel_loop3A_246 : i32 to vector<16xi32>
        %parallel_loop3A_248 = arith.muli %parallel_loop3A_229, %parallel_loop3A_247 : vector<16xi32>
        %parallel_loop3A_249 = arith.constant 5 : i32
        %parallel_loop3A_250 = vector.broadcast %parallel_loop3A_249 : i32 to vector<16xi32>
        %parallel_loop3A_251 = arith.muli %parallel_loop3A_233, %parallel_loop3A_250 : vector<16xi32>
        %parallel_loop3A_252 = arith.addi %parallel_loop3A_248, %parallel_loop3A_251 : vector<16xi32>
        %parallel_loop3A_253 = arith.addi %parallel_loop3A_252, %parallel_loop3A_237 : vector<16xi32>
        %parallel_loop3A_254 = arith.constant 25 : i32
        %parallel_loop3A_255 = vector.broadcast %parallel_loop3A_254 : i32 to vector<16xi32>
        %parallel_loop3A_256 = arith.muli %parallel_loop3A_253, %parallel_loop3A_255 : vector<16xi32>
        %parallel_loop3A_257 = arith.constant 5 : i32
        %parallel_loop3A_258 = vector.broadcast %parallel_loop3A_257 : i32 to vector<16xi32>
        %parallel_loop3A_259 = arith.muli %parallel_loop3A_241, %parallel_loop3A_258 : vector<16xi32>
        %parallel_loop3A_260 = arith.addi %parallel_loop3A_259, %parallel_loop3A_245 : vector<16xi32>
        %parallel_loop3A_261 = arith.addi %parallel_loop3A_256, %parallel_loop3A_260 : vector<16xi32>
        %parallel_loop3A_262 = tpu.vector_load_idx %arg9[%parallel_loop3A_261] : memref<3136xi32, #tpu.memory_space<vmem>>[vector<16xi32>], vector<16xi32>,
        %parallel_loop3A_263 = arith.constant 16 : i32
        %parallel_loop3A_264 = arith.muli %parallel_loop3A_224, %parallel_loop3A_263 : i32
        %parallel_loop3A_265 = vector.broadcast %parallel_loop3A_264 : i32 to vector<16xi32>
        %parallel_loop3A_266 = arith.addi %parallel_loop3A_265, %iota3A : vector<16xi32>
        %parallel_loop3A_267 = vector.broadcast %scan3A_61 : i32 to vector<16xi32>
        %parallel_loop3A_268 = arith.andi %parallel_loop3A_262, %parallel_loop3A_267 : vector<16xi32>
        %parallel_loop3A_269 = arith.constant 5 : i32
        %parallel_loop3A_270 = vector.broadcast %parallel_loop3A_269 : i32 to vector<16xi32>
        %parallel_loop3A_271 = arith.shrui %parallel_loop3A_262, %parallel_loop3A_270 : vector<16xi32>
        %parallel_loop3A_272 = vector.broadcast %scan3A_61 : i32 to vector<16xi32>
        %parallel_loop3A_273 = arith.andi %parallel_loop3A_271, %parallel_loop3A_272 : vector<16xi32>
        %parallel_loop3A_274 = arith.constant 10 : i32
        %parallel_loop3A_275 = vector.broadcast %parallel_loop3A_274 : i32 to vector<16xi32>
        %parallel_loop3A_276 = arith.shrui %parallel_loop3A_262, %parallel_loop3A_275 : vector<16xi32>
        %parallel_loop3A_277 = vector.broadcast %scan3A_61 : i32 to vector<16xi32>
        %parallel_loop3A_278 = arith.andi %parallel_loop3A_276, %parallel_loop3A_277 : vector<16xi32>
        %parallel_loop3A_279 = arith.constant 15 : i32
        %parallel_loop3A_280 = vector.broadcast %parallel_loop3A_279 : i32 to vector<16xi32>
        %parallel_loop3A_281 = arith.shrui %parallel_loop3A_262, %parallel_loop3A_280 : vector<16xi32>
        %parallel_loop3A_282 = vector.broadcast %scan3A_61 : i32 to vector<16xi32>
        %parallel_loop3A_283 = arith.andi %parallel_loop3A_281, %parallel_loop3A_282 : vector<16xi32>
        %parallel_loop3A_284 = arith.constant 20 : i32
        %parallel_loop3A_285 = vector.broadcast %parallel_loop3A_284 : i32 to vector<16xi32>
        %parallel_loop3A_286 = arith.shrui %parallel_loop3A_262, %parallel_loop3A_285 : vector<16xi32>
        %parallel_loop3A_287 = vector.broadcast %scan3A_61 : i32 to vector<16xi32>
        %parallel_loop3A_288 = arith.andi %parallel_loop3A_286, %parallel_loop3A_287 : vector<16xi32>
        %parallel_loop3A_289 = arith.constant 25 : i32
        %parallel_loop3A_290 = vector.broadcast %parallel_loop3A_289 : i32 to vector<16xi32>
        %parallel_loop3A_291 = arith.shrui %parallel_loop3A_262, %parallel_loop3A_290 : vector<16xi32>
        tpu.vector_store_idx %arg7[%broadcast_in_dim3A_29, %parallel_loop3A_266], %parallel_loop3A_268 : memref<6x512xi32, #tpu.memory_space<vmem>>[vector<16xi32>, vector<16xi32>], vector<16xi32>,
        tpu.vector_store_idx %arg7[%broadcast_in_dim3A_31, %parallel_loop3A_266], %parallel_loop3A_278 : memref<6x512xi32, #tpu.memory_space<vmem>>[vector<16xi32>, vector<16xi32>], vector<16xi32>,
        tpu.vector_store_idx %arg7[%broadcast_in_dim3A_33, %parallel_loop3A_266], %parallel_loop3A_288 : memref<6x512xi32, #tpu.memory_space<vmem>>[vector<16xi32>, vector<16xi32>], vector<16xi32>,
        %parallel_loop3A_292 = arith.constant 510 : i32
        %parallel_loop3A_293 = vector.broadcast %parallel_loop3A_292 : i32 to vector<16xi32>
        %parallel_loop3A_294 = arith.cmpi sle, %parallel_loop3A_266, %parallel_loop3A_293 : vector<16xi32>
        %parallel_loop3A_295 = arith.constant 511 : i32
        %parallel_loop3A_296 = vector.broadcast %parallel_loop3A_295 : i32 to vector<16xi32>
        %parallel_loop3A_297 = arith.subi %parallel_loop3A_296, %parallel_loop3A_266 : vector<16xi32>
        tpu.vector_store_idx %arg7[%broadcast_in_dim3A_35, %parallel_loop3A_297], %parallel_loop3A_273 : memref<6x512xi32, #tpu.memory_space<vmem>>[vector<16xi32>, vector<16xi32>], vector<16xi32>,
        %parallel_loop3A_298 = arith.constant 510 : i32
        %parallel_loop3A_299 = vector.broadcast %parallel_loop3A_298 : i32 to vector<16xi32>
        %parallel_loop3A_300 = arith.subi %parallel_loop3A_299, %parallel_loop3A_266 : vector<16xi32>
        tpu.vector_store_idx %arg7[%broadcast_in_dim3A_39, %parallel_loop3A_300], %parallel_loop3A_283 masked %parallel_loop3A_294 : memref<6x512xi32, #tpu.memory_space<vmem>>[vector<16xi32>, vector<16xi32>], vector<16xi32>, vector<16xi1>
        %parallel_loop3A_301 = arith.constant 510 : i32
        %parallel_loop3A_302 = vector.broadcast %parallel_loop3A_301 : i32 to vector<16xi32>
        %parallel_loop3A_303 = arith.subi %parallel_loop3A_302, %parallel_loop3A_266 : vector<16xi32>
        tpu.vector_store_idx %arg7[%broadcast_in_dim3A_37, %parallel_loop3A_303], %parallel_loop3A_291 masked %parallel_loop3A_294 : memref<6x512xi32, #tpu.memory_space<vmem>>[vector<16xi32>, vector<16xi32>], vector<16xi32>, vector<16xi1>
      } {sc.loop_unroll_factor = 4 : i64, sc.parallel_access}
      %eq3A_130 = arith.constant 0 : i32
      %eq3A_131 = vector.broadcast %eq3A_130 : i32 to vector<16xi32>
      %eq3A_132 = arith.cmpi eq, %iota3A, %eq3A_131 : vector<16xi32>
      %jit3A_133 = arith.constant 1 : i32
      %jit3A_134 = arith.constant 2 : i32
      %broadcast_in_dim3A_135 = vector.broadcast %jit3A_133 : i32 to vector<16xi32>
      %broadcast_in_dim3A_136 = vector.broadcast %jit3A_134 : i32 to vector<16xi32>
      %select_n3A_137 = arith.select %eq3A_132, %broadcast_in_dim3A_135, %broadcast_in_dim3A_136 : vector<16xi1>, vector<16xi32>
      %broadcast_in_dim3A_138 = arith.constant 511 : i32
      %broadcast_in_dim3A_139 = vector.broadcast %broadcast_in_dim3A_138 : i32 to vector<16xi32>
      %broadcast_in_dim3A_140 = vector.broadcast %scan3A_62 : i32 to vector<16xi32>
      %lt3A_141 = arith.constant 2 : i32
      %lt3A_142 = vector.broadcast %lt3A_141 : i32 to vector<16xi32>
      %lt3A_143 = arith.cmpi slt, %iota3A, %lt3A_142 : vector<16xi32>
      tpu.vector_store_idx %arg7[%select_n3A_137, %broadcast_in_dim3A_139], %broadcast_in_dim3A_140 masked %lt3A_143 : memref<6x512xi32, #tpu.memory_space<vmem>>[vector<16xi32>, vector<16xi32>], vector<16xi32>, vector<16xi1>
      %add3A_144 = arith.constant 2 : i32
      %add3A_145 = arith.addi %add3A_115, %add3A_144 : i32
      %min3A = arith.constant 4095 : i32
      %min3A_146 = arith.minsi %add3A_145, %min3A : i32
      %dma_start3A_147 = arith.constant 0 : i32
      %dma_start3A_148 = tpu.memref_slice %arg5[%dma_start3A_147] : memref<1552xi32, #tpu.memory_space<vmem>> -> memref<1536xi32, #tpu.memory_space<vmem>>
      %dma_start3A_149 = arith.constant 0 : i32
      %dma_start3A_150 = tpu.memref_slice %arg2[%min3A_146, %dma_start3A_149] : memref<4096x1536xi32, #tpu.memory_space<hbm>> -> memref<1x1536xi32, #tpu.memory_space<hbm>>
      %dma_start3A_151 = tpu.memref_squeeze %dma_start3A_150 : memref<1x1536xi32, #tpu.memory_space<hbm>> -> memref<1536xi32, #tpu.memory_space<hbm>>
      %dma_start3A_152 = arith.constant 0 : i32
      %dma_start3A_153 = tpu.memref_slice %arg5[%dma_start3A_152] : memref<1552xi32, #tpu.memory_space<vmem>> -> memref<1536xi32, #tpu.memory_space<vmem>>
      %dma_start3A_154 = arith.constant 0 : i32
      %dma_start3A_155 = tpu.memref_slice %arg2[%min3A_146, %dma_start3A_154] : memref<4096x1536xi32, #tpu.memory_space<hbm>> -> memref<1x1536xi32, #tpu.memory_space<hbm>>
      %dma_start3A_156 = tpu.memref_squeeze %dma_start3A_155 : memref<1x1536xi32, #tpu.memory_space<hbm>> -> memref<1536xi32, #tpu.memory_space<hbm>>
      tpu.enqueue_dma source(%dma_start3A_156 : memref<1536xi32, #tpu.memory_space<hbm>>) target(%dma_start3A_153 : memref<1536xi32, #tpu.memory_space<vmem>>) target_semaphore(%arg10 : memref<!tpu.dma_semaphore, #tpu.memory_space<semaphore_mem>>)
      %dma_start3A_157 = arith.constant 0 : i32
      %dma_start3A_158 = arith.constant 0 : i32
      %dma_start3A_159 = tpu.memref_slice %arg4[%add3A_115, %dma_start3A_157, %dma_start3A_158] : memref<4096x6x512xi32, #tpu.memory_space<hbm>> -> memref<1x6x512xi32, #tpu.memory_space<hbm>>
      %dma_start3A_160 = tpu.memref_squeeze %dma_start3A_159 : memref<1x6x512xi32, #tpu.memory_space<hbm>> -> memref<6x512xi32, #tpu.memory_space<hbm>>
      %dma_start3A_161 = arith.constant 0 : i32
      %dma_start3A_162 = arith.constant 0 : i32
      %dma_start3A_163 = tpu.memref_slice %arg4[%add3A_115, %dma_start3A_161, %dma_start3A_162] : memref<4096x6x512xi32, #tpu.memory_space<hbm>> -> memref<1x6x512xi32, #tpu.memory_space<hbm>>
      %dma_start3A_164 = tpu.memref_squeeze %dma_start3A_163 : memref<1x6x512xi32, #tpu.memory_space<hbm>> -> memref<6x512xi32, #tpu.memory_space<hbm>>
      tpu.enqueue_dma source(%arg7 : memref<6x512xi32, #tpu.memory_space<vmem>>) target(%dma_start3A_164 : memref<6x512xi32, #tpu.memory_space<hbm>>) target_semaphore(%arg12 : memref<!tpu.dma_semaphore, #tpu.memory_space<semaphore_mem>>)
      %mul3A_165 = arith.constant 2 : i32
      %mul3A_166 = arith.muli %mul3A_165, %scan3A_110 : i32
      %add3A_167 = arith.addi %mul3A_5, %mul3A_166 : i32
      %add3A_168 = arith.constant 1 : i32
      %add3A_169 = arith.addi %add3A_167, %add3A_168 : i32
      %dma_wait3A_170 = arith.constant 0 : i32
      %dma_wait3A_171 = tpu.memref_slice %arg6[%dma_wait3A_170] : memref<1552xi32, #tpu.memory_space<vmem>> -> memref<1536xi32, #tpu.memory_space<vmem>>
      %dma_wait3A_172 = arith.constant 0 : i32
      %dma_wait3A_173 = tpu.memref_slice %arg2[%add3A_169, %dma_wait3A_172] : memref<4096x1536xi32, #tpu.memory_space<hbm>> -> memref<1x1536xi32, #tpu.memory_space<hbm>>
      %dma_wait3A_174 = tpu.memref_squeeze %dma_wait3A_173 : memref<1x1536xi32, #tpu.memory_space<hbm>> -> memref<1536xi32, #tpu.memory_space<hbm>>
      %dma_wait3A_175 = arith.constant 0 : i32
      %dma_wait3A_176 = tpu.memref_slice %arg6[%dma_wait3A_175] : memref<1552xi32, #tpu.memory_space<vmem>> -> memref<1536xi32, #tpu.memory_space<vmem>>
      %dma_wait3A_177 = arith.constant 0 : i32
      %dma_wait3A_178 = tpu.memref_slice %arg2[%add3A_169, %dma_wait3A_177] : memref<4096x1536xi32, #tpu.memory_space<hbm>> -> memref<1x1536xi32, #tpu.memory_space<hbm>>
      %dma_wait3A_179 = tpu.memref_squeeze %dma_wait3A_178 : memref<1x1536xi32, #tpu.memory_space<hbm>> -> memref<1536xi32, #tpu.memory_space<hbm>>
      tpu.wait_dma2 semaphore(%arg11 : memref<!tpu.dma_semaphore, #tpu.memory_space<semaphore_mem>>) src(%dma_wait3A_179 : memref<1536xi32, #tpu.memory_space<hbm>>) dst(%dma_wait3A_176 : memref<1536xi32, #tpu.memory_space<vmem>>)
      %gt3A_180 = arith.constant 0 : i32
      %gt3A_181 = arith.cmpi sgt, %scan3A_110, %gt3A_180 : i32
      %convert_element_type3A_182 = arith.extui %gt3A_181 : i1 to i32
      %cond3A_183 = arith.constant 0 : i32
      %cond3A_184 = arith.cmpi ne, %convert_element_type3A_182, %cond3A_183 : i32
      scf.if %cond3A_184 {
        %dma_wait3A_224 = arith.constant 0 : i32
        %dma_wait3A_225 = arith.constant 0 : i32
        %dma_wait3A_226 = tpu.memref_slice %arg4[%add3A_169, %dma_wait3A_224, %dma_wait3A_225] : memref<4096x6x512xi32, #tpu.memory_space<hbm>> -> memref<1x6x512xi32, #tpu.memory_space<hbm>>
        %dma_wait3A_227 = tpu.memref_squeeze %dma_wait3A_226 : memref<1x6x512xi32, #tpu.memory_space<hbm>> -> memref<6x512xi32, #tpu.memory_space<hbm>>
        %dma_wait3A_228 = arith.constant 0 : i32
        %dma_wait3A_229 = arith.constant 0 : i32
        %dma_wait3A_230 = tpu.memref_slice %arg4[%add3A_169, %dma_wait3A_228, %dma_wait3A_229] : memref<4096x6x512xi32, #tpu.memory_space<hbm>> -> memref<1x6x512xi32, #tpu.memory_space<hbm>>
        %dma_wait3A_231 = tpu.memref_squeeze %dma_wait3A_230 : memref<1x6x512xi32, #tpu.memory_space<hbm>> -> memref<6x512xi32, #tpu.memory_space<hbm>>
        tpu.wait_dma2 semaphore(%arg13 : memref<!tpu.dma_semaphore, #tpu.memory_space<semaphore_mem>>) src(%arg8 : memref<6x512xi32, #tpu.memory_space<vmem>>) dst(%dma_wait3A_231 : memref<6x512xi32, #tpu.memory_space<hbm>>)
      } else {
      }
      %parallel_loop3A_185 = arith.constant 0 : i32
      %parallel_loop3A_186 = arith.constant 32 : i32
      %parallel_loop3A_187 = arith.constant 1 : i32
      scf.for %parallel_loop3A_224 = %parallel_loop3A_185 to %parallel_loop3A_186 step %parallel_loop3A_187  : i32 {
        %parallel_loop3A_225 = arith.constant 48 : i32
        %parallel_loop3A_226 = arith.muli %parallel_loop3A_224, %parallel_loop3A_225 : i32
        %parallel_loop3A_227 = vector.broadcast %parallel_loop3A_226 : i32 to vector<16xi32>
        %parallel_loop3A_228 = arith.addi %parallel_loop3A_227, %mul3A_3 : vector<16xi32>
        %parallel_loop3A_229 = tpu.vector_load_idx %arg6[%parallel_loop3A_228] : memref<1552xi32, #tpu.memory_space<vmem>>[vector<16xi32>], vector<16xi32>,
        %parallel_loop3A_230 = arith.constant 1 : i32
        %parallel_loop3A_231 = vector.broadcast %parallel_loop3A_230 : i32 to vector<16xi32>
        %parallel_loop3A_232 = arith.addi %parallel_loop3A_228, %parallel_loop3A_231 : vector<16xi32>
        %parallel_loop3A_233 = tpu.vector_load_idx %arg6[%parallel_loop3A_232] : memref<1552xi32, #tpu.memory_space<vmem>>[vector<16xi32>], vector<16xi32>,
        %parallel_loop3A_234 = arith.constant 2 : i32
        %parallel_loop3A_235 = vector.broadcast %parallel_loop3A_234 : i32 to vector<16xi32>
        %parallel_loop3A_236 = arith.addi %parallel_loop3A_228, %parallel_loop3A_235 : vector<16xi32>
        %parallel_loop3A_237 = tpu.vector_load_idx %arg6[%parallel_loop3A_236] : memref<1552xi32, #tpu.memory_space<vmem>>[vector<16xi32>], vector<16xi32>,
        %parallel_loop3A_238 = arith.constant 3 : i32
        %parallel_loop3A_239 = vector.broadcast %parallel_loop3A_238 : i32 to vector<16xi32>
        %parallel_loop3A_240 = arith.addi %parallel_loop3A_228, %parallel_loop3A_239 : vector<16xi32>
        %parallel_loop3A_241 = tpu.vector_load_idx %arg6[%parallel_loop3A_240] : memref<1552xi32, #tpu.memory_space<vmem>>[vector<16xi32>], vector<16xi32>,
        %parallel_loop3A_242 = arith.constant 4 : i32
        %parallel_loop3A_243 = vector.broadcast %parallel_loop3A_242 : i32 to vector<16xi32>
        %parallel_loop3A_244 = arith.addi %parallel_loop3A_228, %parallel_loop3A_243 : vector<16xi32>
        %parallel_loop3A_245 = tpu.vector_load_idx %arg6[%parallel_loop3A_244] : memref<1552xi32, #tpu.memory_space<vmem>>[vector<16xi32>], vector<16xi32>,
        %parallel_loop3A_246 = arith.constant 25 : i32
        %parallel_loop3A_247 = vector.broadcast %parallel_loop3A_246 : i32 to vector<16xi32>
        %parallel_loop3A_248 = arith.muli %parallel_loop3A_229, %parallel_loop3A_247 : vector<16xi32>
        %parallel_loop3A_249 = arith.constant 5 : i32
        %parallel_loop3A_250 = vector.broadcast %parallel_loop3A_249 : i32 to vector<16xi32>
        %parallel_loop3A_251 = arith.muli %parallel_loop3A_233, %parallel_loop3A_250 : vector<16xi32>
        %parallel_loop3A_252 = arith.addi %parallel_loop3A_248, %parallel_loop3A_251 : vector<16xi32>
        %parallel_loop3A_253 = arith.addi %parallel_loop3A_252, %parallel_loop3A_237 : vector<16xi32>
        %parallel_loop3A_254 = arith.constant 25 : i32
        %parallel_loop3A_255 = vector.broadcast %parallel_loop3A_254 : i32 to vector<16xi32>
        %parallel_loop3A_256 = arith.muli %parallel_loop3A_253, %parallel_loop3A_255 : vector<16xi32>
        %parallel_loop3A_257 = arith.constant 5 : i32
        %parallel_loop3A_258 = vector.broadcast %parallel_loop3A_257 : i32 to vector<16xi32>
        %parallel_loop3A_259 = arith.muli %parallel_loop3A_241, %parallel_loop3A_258 : vector<16xi32>
        %parallel_loop3A_260 = arith.addi %parallel_loop3A_259, %parallel_loop3A_245 : vector<16xi32>
        %parallel_loop3A_261 = arith.addi %parallel_loop3A_256, %parallel_loop3A_260 : vector<16xi32>
        %parallel_loop3A_262 = tpu.vector_load_idx %arg9[%parallel_loop3A_261] : memref<3136xi32, #tpu.memory_space<vmem>>[vector<16xi32>], vector<16xi32>,
        %parallel_loop3A_263 = arith.constant 16 : i32
        %parallel_loop3A_264 = arith.muli %parallel_loop3A_224, %parallel_loop3A_263 : i32
        %parallel_loop3A_265 = vector.broadcast %parallel_loop3A_264 : i32 to vector<16xi32>
        %parallel_loop3A_266 = arith.addi %parallel_loop3A_265, %iota3A : vector<16xi32>
        %parallel_loop3A_267 = vector.broadcast %scan3A_61 : i32 to vector<16xi32>
        %parallel_loop3A_268 = arith.andi %parallel_loop3A_262, %parallel_loop3A_267 : vector<16xi32>
        %parallel_loop3A_269 = arith.constant 5 : i32
        %parallel_loop3A_270 = vector.broadcast %parallel_loop3A_269 : i32 to vector<16xi32>
        %parallel_loop3A_271 = arith.shrui %parallel_loop3A_262, %parallel_loop3A_270 : vector<16xi32>
        %parallel_loop3A_272 = vector.broadcast %scan3A_61 : i32 to vector<16xi32>
        %parallel_loop3A_273 = arith.andi %parallel_loop3A_271, %parallel_loop3A_272 : vector<16xi32>
        %parallel_loop3A_274 = arith.constant 10 : i32
        %parallel_loop3A_275 = vector.broadcast %parallel_loop3A_274 : i32 to vector<16xi32>
        %parallel_loop3A_276 = arith.shrui %parallel_loop3A_262, %parallel_loop3A_275 : vector<16xi32>
        %parallel_loop3A_277 = vector.broadcast %scan3A_61 : i32 to vector<16xi32>
        %parallel_loop3A_278 = arith.andi %parallel_loop3A_276, %parallel_loop3A_277 : vector<16xi32>
        %parallel_loop3A_279 = arith.constant 15 : i32
        %parallel_loop3A_280 = vector.broadcast %parallel_loop3A_279 : i32 to vector<16xi32>
        %parallel_loop3A_281 = arith.shrui %parallel_loop3A_262, %parallel_loop3A_280 : vector<16xi32>
        %parallel_loop3A_282 = vector.broadcast %scan3A_61 : i32 to vector<16xi32>
        %parallel_loop3A_283 = arith.andi %parallel_loop3A_281, %parallel_loop3A_282 : vector<16xi32>
        %parallel_loop3A_284 = arith.constant 20 : i32
        %parallel_loop3A_285 = vector.broadcast %parallel_loop3A_284 : i32 to vector<16xi32>
        %parallel_loop3A_286 = arith.shrui %parallel_loop3A_262, %parallel_loop3A_285 : vector<16xi32>
        %parallel_loop3A_287 = vector.broadcast %scan3A_61 : i32 to vector<16xi32>
        %parallel_loop3A_288 = arith.andi %parallel_loop3A_286, %parallel_loop3A_287 : vector<16xi32>
        %parallel_loop3A_289 = arith.constant 25 : i32
        %parallel_loop3A_290 = vector.broadcast %parallel_loop3A_289 : i32 to vector<16xi32>
        %parallel_loop3A_291 = arith.shrui %parallel_loop3A_262, %parallel_loop3A_290 : vector<16xi32>
        tpu.vector_store_idx %arg8[%broadcast_in_dim3A_29, %parallel_loop3A_266], %parallel_loop3A_268 : memref<6x512xi32, #tpu.memory_space<vmem>>[vector<16xi32>, vector<16xi32>], vector<16xi32>,
        tpu.vector_store_idx %arg8[%broadcast_in_dim3A_31, %parallel_loop3A_266], %parallel_loop3A_278 : memref<6x512xi32, #tpu.memory_space<vmem>>[vector<16xi32>, vector<16xi32>], vector<16xi32>,
        tpu.vector_store_idx %arg8[%broadcast_in_dim3A_33, %parallel_loop3A_266], %parallel_loop3A_288 : memref<6x512xi32, #tpu.memory_space<vmem>>[vector<16xi32>, vector<16xi32>], vector<16xi32>,
        %parallel_loop3A_292 = arith.constant 510 : i32
        %parallel_loop3A_293 = vector.broadcast %parallel_loop3A_292 : i32 to vector<16xi32>
        %parallel_loop3A_294 = arith.cmpi sle, %parallel_loop3A_266, %parallel_loop3A_293 : vector<16xi32>
        %parallel_loop3A_295 = arith.constant 511 : i32
        %parallel_loop3A_296 = vector.broadcast %parallel_loop3A_295 : i32 to vector<16xi32>
        %parallel_loop3A_297 = arith.subi %parallel_loop3A_296, %parallel_loop3A_266 : vector<16xi32>
        tpu.vector_store_idx %arg8[%broadcast_in_dim3A_35, %parallel_loop3A_297], %parallel_loop3A_273 : memref<6x512xi32, #tpu.memory_space<vmem>>[vector<16xi32>, vector<16xi32>], vector<16xi32>,
        %parallel_loop3A_298 = arith.constant 510 : i32
        %parallel_loop3A_299 = vector.broadcast %parallel_loop3A_298 : i32 to vector<16xi32>
        %parallel_loop3A_300 = arith.subi %parallel_loop3A_299, %parallel_loop3A_266 : vector<16xi32>
        tpu.vector_store_idx %arg8[%broadcast_in_dim3A_39, %parallel_loop3A_300], %parallel_loop3A_283 masked %parallel_loop3A_294 : memref<6x512xi32, #tpu.memory_space<vmem>>[vector<16xi32>, vector<16xi32>], vector<16xi32>, vector<16xi1>
        %parallel_loop3A_301 = arith.constant 510 : i32
        %parallel_loop3A_302 = vector.broadcast %parallel_loop3A_301 : i32 to vector<16xi32>
        %parallel_loop3A_303 = arith.subi %parallel_loop3A_302, %parallel_loop3A_266 : vector<16xi32>
        tpu.vector_store_idx %arg8[%broadcast_in_dim3A_37, %parallel_loop3A_303], %parallel_loop3A_291 masked %parallel_loop3A_294 : memref<6x512xi32, #tpu.memory_space<vmem>>[vector<16xi32>, vector<16xi32>], vector<16xi32>, vector<16xi1>
      } {sc.loop_unroll_factor = 4 : i64, sc.parallel_access}
      %eq3A_188 = arith.constant 0 : i32
      %eq3A_189 = vector.broadcast %eq3A_188 : i32 to vector<16xi32>
      %eq3A_190 = arith.cmpi eq, %iota3A, %eq3A_189 : vector<16xi32>
      %jit3A_191 = arith.constant 1 : i32
      %jit3A_192 = arith.constant 2 : i32
      %broadcast_in_dim3A_193 = vector.broadcast %jit3A_191 : i32 to vector<16xi32>
      %broadcast_in_dim3A_194 = vector.broadcast %jit3A_192 : i32 to vector<16xi32>
      %select_n3A_195 = arith.select %eq3A_190, %broadcast_in_dim3A_193, %broadcast_in_dim3A_194 : vector<16xi1>, vector<16xi32>
      %broadcast_in_dim3A_196 = arith.constant 511 : i32
      %broadcast_in_dim3A_197 = vector.broadcast %broadcast_in_dim3A_196 : i32 to vector<16xi32>
      %broadcast_in_dim3A_198 = vector.broadcast %scan3A_62 : i32 to vector<16xi32>
      %lt3A_199 = arith.constant 2 : i32
      %lt3A_200 = vector.broadcast %lt3A_199 : i32 to vector<16xi32>
      %lt3A_201 = arith.cmpi slt, %iota3A, %lt3A_200 : vector<16xi32>
      tpu.vector_store_idx %arg8[%select_n3A_195, %broadcast_in_dim3A_197], %broadcast_in_dim3A_198 masked %lt3A_201 : memref<6x512xi32, #tpu.memory_space<vmem>>[vector<16xi32>, vector<16xi32>], vector<16xi32>, vector<16xi1>
      %add3A_202 = arith.constant 2 : i32
      %add3A_203 = arith.addi %add3A_169, %add3A_202 : i32
      %min3A_204 = arith.constant 4095 : i32
      %min3A_205 = arith.minsi %add3A_203, %min3A_204 : i32
      %dma_start3A_206 = arith.constant 0 : i32
      %dma_start3A_207 = tpu.memref_slice %arg6[%dma_start3A_206] : memref<1552xi32, #tpu.memory_space<vmem>> -> memref<1536xi32, #tpu.memory_space<vmem>>
      %dma_start3A_208 = arith.constant 0 : i32
      %dma_start3A_209 = tpu.memref_slice %arg2[%min3A_205, %dma_start3A_208] : memref<4096x1536xi32, #tpu.memory_space<hbm>> -> memref<1x1536xi32, #tpu.memory_space<hbm>>
      %dma_start3A_210 = tpu.memref_squeeze %dma_start3A_209 : memref<1x1536xi32, #tpu.memory_space<hbm>> -> memref<1536xi32, #tpu.memory_space<hbm>>
      %dma_start3A_211 = arith.constant 0 : i32
      %dma_start3A_212 = tpu.memref_slice %arg6[%dma_start3A_211] : memref<1552xi32, #tpu.memory_space<vmem>> -> memref<1536xi32, #tpu.memory_space<vmem>>
      %dma_start3A_213 = arith.constant 0 : i32
      %dma_start3A_214 = tpu.memref_slice %arg2[%min3A_205, %dma_start3A_213] : memref<4096x1536xi32, #tpu.memory_space<hbm>> -> memref<1x1536xi32, #tpu.memory_space<hbm>>
      %dma_start3A_215 = tpu.memref_squeeze %dma_start3A_214 : memref<1x1536xi32, #tpu.memory_space<hbm>> -> memref<1536xi32, #tpu.memory_space<hbm>>
      tpu.enqueue_dma source(%dma_start3A_215 : memref<1536xi32, #tpu.memory_space<hbm>>) target(%dma_start3A_212 : memref<1536xi32, #tpu.memory_space<vmem>>) target_semaphore(%arg11 : memref<!tpu.dma_semaphore, #tpu.memory_space<semaphore_mem>>)
      %dma_start3A_216 = arith.constant 0 : i32
      %dma_start3A_217 = arith.constant 0 : i32
      %dma_start3A_218 = tpu.memref_slice %arg4[%add3A_169, %dma_start3A_216, %dma_start3A_217] : memref<4096x6x512xi32, #tpu.memory_space<hbm>> -> memref<1x6x512xi32, #tpu.memory_space<hbm>>
      %dma_start3A_219 = tpu.memref_squeeze %dma_start3A_218 : memref<1x6x512xi32, #tpu.memory_space<hbm>> -> memref<6x512xi32, #tpu.memory_space<hbm>>
      %dma_start3A_220 = arith.constant 0 : i32
      %dma_start3A_221 = arith.constant 0 : i32
      %dma_start3A_222 = tpu.memref_slice %arg4[%add3A_169, %dma_start3A_220, %dma_start3A_221] : memref<4096x6x512xi32, #tpu.memory_space<hbm>> -> memref<1x6x512xi32, #tpu.memory_space<hbm>>
      %dma_start3A_223 = tpu.memref_squeeze %dma_start3A_222 : memref<1x6x512xi32, #tpu.memory_space<hbm>> -> memref<6x512xi32, #tpu.memory_space<hbm>>
      tpu.enqueue_dma source(%arg8 : memref<6x512xi32, #tpu.memory_space<vmem>>) target(%dma_start3A_223 : memref<6x512xi32, #tpu.memory_space<hbm>>) target_semaphore(%arg13 : memref<!tpu.dma_semaphore, #tpu.memory_space<semaphore_mem>>)
    }
    %scan3A_67 = arith.constant 64 : i32
    %add3A_68 = arith.constant 128 : i32
    %add3A_69 = arith.addi %mul3A_5, %add3A_68 : i32
    %sub3A = arith.constant 2 : i32
    %sub3A_70 = arith.subi %add3A_69, %sub3A : i32
    %dma_wait3A = arith.constant 0 : i32
    %dma_wait3A_71 = arith.constant 0 : i32
    %dma_wait3A_72 = tpu.memref_slice %arg4[%sub3A_70, %dma_wait3A, %dma_wait3A_71] : memref<4096x6x512xi32, #tpu.memory_space<hbm>> -> memref<1x6x512xi32, #tpu.memory_space<hbm>>
    %dma_wait3A_73 = tpu.memref_squeeze %dma_wait3A_72 : memref<1x6x512xi32, #tpu.memory_space<hbm>> -> memref<6x512xi32, #tpu.memory_space<hbm>>
    %dma_wait3A_74 = arith.constant 0 : i32
    %dma_wait3A_75 = arith.constant 0 : i32
    %dma_wait3A_76 = tpu.memref_slice %arg4[%sub3A_70, %dma_wait3A_74, %dma_wait3A_75] : memref<4096x6x512xi32, #tpu.memory_space<hbm>> -> memref<1x6x512xi32, #tpu.memory_space<hbm>>
    %dma_wait3A_77 = tpu.memref_squeeze %dma_wait3A_76 : memref<1x6x512xi32, #tpu.memory_space<hbm>> -> memref<6x512xi32, #tpu.memory_space<hbm>>
    tpu.wait_dma2 semaphore(%arg12 : memref<!tpu.dma_semaphore, #tpu.memory_space<semaphore_mem>>) src(%arg7 : memref<6x512xi32, #tpu.memory_space<vmem>>) dst(%dma_wait3A_77 : memref<6x512xi32, #tpu.memory_space<hbm>>)
    %add3A_78 = arith.constant 1 : i32
    %add3A_79 = arith.addi %sub3A_70, %add3A_78 : i32
    %dma_wait3A_80 = arith.constant 0 : i32
    %dma_wait3A_81 = arith.constant 0 : i32
    %dma_wait3A_82 = tpu.memref_slice %arg4[%add3A_79, %dma_wait3A_80, %dma_wait3A_81] : memref<4096x6x512xi32, #tpu.memory_space<hbm>> -> memref<1x6x512xi32, #tpu.memory_space<hbm>>
    %dma_wait3A_83 = tpu.memref_squeeze %dma_wait3A_82 : memref<1x6x512xi32, #tpu.memory_space<hbm>> -> memref<6x512xi32, #tpu.memory_space<hbm>>
    %dma_wait3A_84 = arith.constant 0 : i32
    %dma_wait3A_85 = arith.constant 0 : i32
    %dma_wait3A_86 = tpu.memref_slice %arg4[%add3A_79, %dma_wait3A_84, %dma_wait3A_85] : memref<4096x6x512xi32, #tpu.memory_space<hbm>> -> memref<1x6x512xi32, #tpu.memory_space<hbm>>
    %dma_wait3A_87 = tpu.memref_squeeze %dma_wait3A_86 : memref<1x6x512xi32, #tpu.memory_space<hbm>> -> memref<6x512xi32, #tpu.memory_space<hbm>>
    tpu.wait_dma2 semaphore(%arg13 : memref<!tpu.dma_semaphore, #tpu.memory_space<semaphore_mem>>) src(%arg8 : memref<6x512xi32, #tpu.memory_space<vmem>>) dst(%dma_wait3A_87 : memref<6x512xi32, #tpu.memory_space<hbm>>)
    %dma_wait3A_88 = arith.constant 0 : i32
    %dma_wait3A_89 = tpu.memref_slice %arg5[%dma_wait3A_88] : memref<1552xi32, #tpu.memory_space<vmem>> -> memref<1536xi32, #tpu.memory_space<vmem>>
    %dma_wait3A_90 = arith.constant 0 : i32
    %dma_wait3A_91 = tpu.memref_slice %arg2[%sub3A_70, %dma_wait3A_90] : memref<4096x1536xi32, #tpu.memory_space<hbm>> -> memref<1x1536xi32, #tpu.memory_space<hbm>>
    %dma_wait3A_92 = tpu.memref_squeeze %dma_wait3A_91 : memref<1x1536xi32, #tpu.memory_space<hbm>> -> memref<1536xi32, #tpu.memory_space<hbm>>
    %dma_wait3A_93 = arith.constant 0 : i32
    %dma_wait3A_94 = tpu.memref_slice %arg5[%dma_wait3A_93] : memref<1552xi32, #tpu.memory_space<vmem>> -> memref<1536xi32, #tpu.memory_space<vmem>>
    %dma_wait3A_95 = arith.constant 0 : i32
    %dma_wait3A_96 = tpu.memref_slice %arg2[%sub3A_70, %dma_wait3A_95] : memref<4096x1536xi32, #tpu.memory_space<hbm>> -> memref<1x1536xi32, #tpu.memory_space<hbm>>
    %dma_wait3A_97 = tpu.memref_squeeze %dma_wait3A_96 : memref<1x1536xi32, #tpu.memory_space<hbm>> -> memref<1536xi32, #tpu.memory_space<hbm>>
    tpu.wait_dma2 semaphore(%arg10 : memref<!tpu.dma_semaphore, #tpu.memory_space<semaphore_mem>>) src(%dma_wait3A_97 : memref<1536xi32, #tpu.memory_space<hbm>>) dst(%dma_wait3A_94 : memref<1536xi32, #tpu.memory_space<vmem>>)
    %add3A_98 = arith.constant 1 : i32
    %add3A_99 = arith.addi %sub3A_70, %add3A_98 : i32
    %dma_wait3A_100 = arith.constant 0 : i32
    %dma_wait3A_101 = tpu.memref_slice %arg6[%dma_wait3A_100] : memref<1552xi32, #tpu.memory_space<vmem>> -> memref<1536xi32, #tpu.memory_space<vmem>>
    %dma_wait3A_102 = arith.constant 0 : i32
    %dma_wait3A_103 = tpu.memref_slice %arg2[%add3A_99, %dma_wait3A_102] : memref<4096x1536xi32, #tpu.memory_space<hbm>> -> memref<1x1536xi32, #tpu.memory_space<hbm>>
    %dma_wait3A_104 = tpu.memref_squeeze %dma_wait3A_103 : memref<1x1536xi32, #tpu.memory_space<hbm>> -> memref<1536xi32, #tpu.memory_space<hbm>>
    %dma_wait3A_105 = arith.constant 0 : i32
    %dma_wait3A_106 = tpu.memref_slice %arg6[%dma_wait3A_105] : memref<1552xi32, #tpu.memory_space<vmem>> -> memref<1536xi32, #tpu.memory_space<vmem>>
    %dma_wait3A_107 = arith.constant 0 : i32
    %dma_wait3A_108 = tpu.memref_slice %arg2[%add3A_99, %dma_wait3A_107] : memref<4096x1536xi32, #tpu.memory_space<hbm>> -> memref<1x1536xi32, #tpu.memory_space<hbm>>
    %dma_wait3A_109 = tpu.memref_squeeze %dma_wait3A_108 : memref<1x1536xi32, #tpu.memory_space<hbm>> -> memref<1536xi32, #tpu.memory_space<hbm>>
    tpu.wait_dma2 semaphore(%arg11 : memref<!tpu.dma_semaphore, #tpu.memory_space<semaphore_mem>>) src(%dma_wait3A_109 : memref<1536xi32, #tpu.memory_space<hbm>>) dst(%dma_wait3A_106 : memref<1536xi32, #tpu.memory_space<vmem>>)
    return
  }
}

</mosaic_0001>

<sc_bundles>
// kernel: kernel.3.cloned.1.call-start
scs
__scs_entry_jumppad:
0x0: {  	(pc) =	sbr.rel $0x88, $3  }
0x1: {  	(tag) =	ssettag $0x0;
	lr =	simm.s32 $0x1  }
0x2: {  	[smem:$0x3FA0] =	sst lr;
	_ =	strace $0xD0000000  }
0x3: {  	_ = 	snop  }
0x4: {  	_ = 	snop  }
0x5: {  	_ = 	snop  }
0x6: {  	_ = 	snop  }
0x7: {  	_ = 	snop  }
__scs_overlays_trampoline_lowered:
0x8: {  	[smem:$0x3FAF] =	sst s0  }
0x9: {  	[smem:$0x3FB0] =	sst s1  }
0xa: {  	[smem:$0x3FB1] =	sst s2  }
0xb: {  	[smem:$0x3FB2] =	sst s3  }
0xc: {  	[smem:$0x3FB3] =	sst s4  }
0xd: {  	[smem:$0x3FB4] =	sst s5  }
0xe: {  	[smem:$0x3FB5] =	sst s6  }
0xf: {  	[smem:$0x3FB6] =	sst s7  }
0x10: {  	[smem:$0x3FB7] =	sst s8  }
0x11: {  	[smem:$0x3FB8] =	sst s9;
	s0 =	simm.s32 @!p0 $0x0  }
0x12: {  	s1 =	sld [smem:$0x3F9E];
	s0 =	simm.s32 @p0 $0x1  }
0x13: {  	[smem:$0x3FB9] =	sst s0;
	s0 =	simm.s32 @!p1 $0x0  }
0x14: {  	s2 =	sld [smem:$0x3F9D];
	s0 =	simm.s32 @p1 $0x1  }
0x15: {  	[smem:$0x3FBA] =	sst s0;
	s0 =	simm.s32 @!p2 $0x0  }
0x16: {  	s3 =	sld [smem:$0x3FDB];
	s0 =	simm.s32 @p2 $0x1  }
0x17: {  	s4 =	simm.s32 $0x1BF5;
	[smem:$0x3FBC] =	sst s0  }
0x18: {  	s0 =	sld [smem:$0x3F9F];
	_ =	swait.ge [sflag:s4], $0x0  }
0x19: {  	s7 =	sld [smem:$0x3FA0]  }
0x1a: {  	s8 =	sadd.s32 $0xFFFFE003, lr  }
0x1b: {  	s9 =	sadd.s32 $0xFFFFFEF7, lr;
	s5 =	simm.s32 $0xFFFFFFFF;
	p2 =	slt.u32 s8, $0xFFFFF086  }
0x1c: {  	p1 =	slt.u32 s9, $0xF7A;
	s5 =	simm.s32 @!p2 $0x0  }
0x1d: {  	s5 =	simm.s32 @p1 $0x1;
	p0 =	seq.s32 s7, s2  }
0x1e: {  	s7 =	smul.u32 @!p0 $0xF7A, s2;
	p2 =	seq.s32 @!p0 s5, $0x0  }
0x1f: {  	s9 =	smul.u32 $0xF7A, s1;
	s8 =	simm.s32 @!p0 $0x1BF5;
	p2 =	por !p2, p0  }
0x20: {  	[sflag:s8] =	ssyncset.s32 @!p0 $0xFFFFF086;
	s6 =	sadd.s32 @!p0 s3, s7;
	s7 =	simm.s32 @!p0 $0x108  }
0x21: {  	s3 =	sadd.s32 s3, s9;
	s6 =	sadd.s32 @!p0 $0x88, s6;
	s7 =	simm.s32 @p2 $0x1082  }
0x22: {  	[simem:s7], [sflag:s8] =	dma.local @!p0 [hbm:s6], $0xF7A  }
0x23: {  	s9 =	sor.u32 $0xD0000000, s2;
	s6 =	simm.s32 $0x108;
	_ =	swait.ge @!p0 [sflag:s8], $0x0  }
0x24: {  	s3 =	sadd.s32 $0x88, s3;
	s6 =	simm.s32 @!p1 $0x1082;
	[sflag:s4] =	ssyncset.s32 $0xFFFFF086  }
0x25: {  	[simem:s6], [sflag:s4] =	dma.local [hbm:s3], $0xF7A  }
0x26: {  	[smem:$0x3FA0] =	sst s1;
	(tag) =	ssettag s2;
	_ =	strace s9  }
0x27: {  	s1 =	sld [smem:$0x3FB0]  }
0x28: {  	s2 =	sld [smem:$0x3FB1]  }
0x29: {  	s4 =	sld [smem:$0x3FB3]  }
0x2a: {  	p0 =	seq.s32 s5, $0x0;
	s5 =	sld [smem:$0x3FB4]  }
0x2b: {  	s6 =	sld [smem:$0x3FB5]  }
0x2c: {  	s7 =	sld [smem:$0x3FB6]  }
0x2d: {  	s3 =	simm.s32 $0x108;
	s8 =	sld [smem:$0x3FB7]  }
0x2e: {  	s3 =	simm.s32 @!p0 $0x1082;
	s9 =	sld [smem:$0x3FB8]  }
0x2f: {  	lr =	sadd.s32 s0, s3;
	s0 =	sld [smem:$0x3FAF]  }
0x30: {  	s3 =	sld [smem:$0x3FB2]  }
0x31: {  	[smem:$0x3FBB] =	sst s10  }
0x32: {  	s10 =	sld [smem:$0x3FB9];
	_ =	sdelay $0x3  }
0x33: {  	p0 =	seq.s32 s10, $0x1;
	s10 =	sld [smem:$0x3FBB];
	_ =	sdelay $0x3  }
0x34: {  	[smem:$0x3FBB] =	sst s10  }
0x35: {  	s10 =	sld [smem:$0x3FBA];
	_ =	sdelay $0x3  }
0x36: {  	p1 =	seq.s32 s10, $0x1;
	s10 =	sld [smem:$0x3FBB];
	_ =	sdelay $0x3  }
0x37: {  	[smem:$0x3FBB] =	sst s10  }
0x38: {  	s10 =	sld [smem:$0x3FBC]  }
0x39: {  	_ = 	snop;
	(pc) =	sbr.ind lr, $3  }
0x3a: {  	_ = 	snop  }
0x3b: {  	_ = 	snop  }
0x3c: {  	p2 =	seq.s32 s10, $0x1;
	s10 =	sld [smem:$0x3FBB]  }
0x3d: {  	_ =	shalt  }
0x3e: {  	_ =	shalt  }
0x3f: {  	_ =	shalt  }
0x40: {  	_ =	shalt  }
0x41: {  	_ =	shalt  }
0x42: {  	_ =	shalt  }
0x43: {  	_ =	shalt  }
0x44: {  	_ =	shalt  }
0x45: {  	_ =	shalt  }
0x46: {  	_ =	shalt  }
0x47: {  	_ =	shalt  }
0x48: {  	_ =	shalt  }
0x49: {  	_ =	shalt  }
0x4a: {  	_ =	shalt  }
0x4b: {  	_ =	shalt  }
0x4c: {  	_ =	shalt  }
0x4d: {  	_ =	shalt  }
0x4e: {  	_ =	shalt  }
0x4f: {  	_ =	shalt  }
0x50: {  	_ =	shalt  }
0x51: {  	_ =	shalt  }
0x52: {  	_ =	shalt  }
0x53: {  	_ =	shalt  }
0x54: {  	_ =	shalt  }
0x55: {  	_ =	shalt  }
0x56: {  	_ =	shalt  }
0x57: {  	_ =	shalt  }
0x58: {  	_ =	shalt  }
0x59: {  	_ =	shalt  }
0x5a: {  	_ =	shalt  }
0x5b: {  	_ =	shalt  }
0x5c: {  	_ =	shalt  }
0x5d: {  	_ =	shalt  }
0x5e: {  	_ =	shalt  }
0x5f: {  	_ =	shalt  }
0x60: {  	_ =	shalt  }
0x61: {  	_ =	shalt  }
0x62: {  	_ =	shalt  }
0x63: {  	_ =	shalt  }
0x64: {  	_ =	shalt  }
0x65: {  	_ =	shalt  }
0x66: {  	_ =	shalt  }
0x67: {  	_ =	shalt  }
0x68: {  	_ =	shalt  }
0x69: {  	_ =	shalt  }
0x6a: {  	_ =	shalt  }
0x6b: {  	_ =	shalt  }
0x6c: {  	_ =	shalt  }
0x6d: {  	_ =	shalt  }
0x6e: {  	_ =	shalt  }
0x6f: {  	_ =	shalt  }
0x70: {  	_ =	shalt  }
0x71: {  	_ =	shalt  }
0x72: {  	_ =	shalt  }
0x73: {  	_ =	shalt  }
0x74: {  	_ =	shalt  }
0x75: {  	_ =	shalt  }
0x76: {  	_ =	shalt  }
0x77: {  	_ =	shalt  }
0x78: {  	_ =	shalt  }
0x79: {  	_ =	shalt  }
0x7a: {  	_ =	shalt  }
0x7b: {  	_ =	shalt  }
0x7c: {  	_ =	shalt  }
0x7d: {  	_ =	shalt  }
0x7e: {  	_ =	shalt  }
0x7f: {  	_ =	shalt  }
0x80: {  	_ =	shalt  }
0x81: {  	_ =	shalt  }
0x82: {  	_ =	shalt  }
0x83: {  	_ =	shalt  }
0x84: {  	_ =	shalt  }
0x85: {  	_ =	shalt  }
0x86: {  	_ =	shalt  }
0x87: {  	_ =	shalt  }
.Lfunc_end0:
.L_simem_size_0:
called_computation_lowered:
.L_overlay_start_0:
0x88: {  	s2 =	sld [smem:$0x3FD9]  }
0x89: {  	s3 =	sld [smem:$0x3FFE];
	_ =	sdelay $0x1  }
0x8a: {  	s1 =	srdreg.scid  }
0x8b: {  	s0 =	sand.u32 $0x1, s1  }
0x8c: {  	s14 =	sshll.u32 s0, $0xA;
	s2 =	sadd.s32 s3, s2  }
0x8d: {  	s2 =	sadd.s32 s2, s14  }
0x8e: {  	[smem:$0x3FC7] =	sst s2  }
0x8f: {  	_ = 	snop  }
0x90: {  	s2 =	sld [smem:$0x3FD0];
	_ =	sdelay $0x2  }
0x91: {  	s4 =	simm.s32 $0xA;
	s5 =	simm.s32 $0x10;
	s15 =	sld [smem:$0x3FC9]  }
0x92: {  	[smem:s5], [sflag:s4] =	dma.local [hbm:s2], $0x1  }
0x93: {  	_ =	swait.eq [sflag:s4], $0x1  }
0x94: {  	[sflag:s4] =	ssyncset.done $0x0  }
0x95: {  	[sflag:s4] =	ssyncadd.s32 $0xFFFFFFFF  }
0x96: {  	s16 =	sld [smem:$0x11];
	(tm) =	ssettm $0x1  }
0x97: {  	s17 =	sld [smem:$0x3FFB];
	_ =	sdelay $0x3  }
0x98: {  	_ =	strace s17  }
0x99: {  	s4 =	sld [smem:$0x3FFC];
	_ =	sdelay $0x3  }
0x9a: {  	_ =	strace s4  }
0x9b: {  	s4 =	sld [smem:$0x3FFD];
	_ =	sdelay $0x3  }
0x9c: {  	_ =	strace s4  }
0x9d: {  	_ =	strace $0x8FFFFFFF  }
0x9e: {  	s18 =	sld [smem:$0x3FDB];
	_ =	sdelay $0x1  }
0x9f: {  	s19 =	simm.s32 $_scs_section_size  }
0xa0: {  	s6 =	simm.s32 $_size__tile_overlayer_lowered;
	s7 =	simm.s32 $_tile_overlayer_lowered  }
0xa1: {  	s22 =	simm.s32 $0x1BFF;
	s21 =	sshll.u32 s7, $0x1;
	s4 =	sadd.s32 s19, s18  }
0xa2: {  	s8 =	simm.s32 $0x0;
	s20 =	sshll.u32 s6, $0x1;
	s6 =	sadd.s32 s21, s4  }
0xa3: {  	[timem:s8], [sflag:s22] =	dma.local [hbm:s6], s20  }
0xa4: {  	_ =	swait.ge [sflag:s22], s20  }
0xa5: {  	s5 =	ssub.s32 $0x0, s20;
	[sflag:s22] =	ssyncset.done $0x0  }
0xa6: {  	[sflag:s22] =	ssyncadd.s32 s5;
	_ =	sdelay $0x1  }
0xa7: {  	s23 =	simm.s32 $0x1B8B  }
0xa8: {  	_ =	swait.ge [sflag:s23], $0x1  }
0xa9: {  	[sflag:s23] =	ssyncset.done $0x0  }
0xaa: {  	s25 =	simm.s32 $0x1B8E;
	s24 =	sld [smem:$0x3FFE];
	[sflag:s23] =	ssyncadd.s32 $0xFFFFFFFF  }
0xab: {  	s26 =	simm.s32 $execute0_lowered;
	[smem:$0x3FD2] =	sst s25  }
0xac: {  	s6 =	sshll.u32 s26, $0x1;
	_ =	strace $0x80000046;
	[dreg:$0x1] =	wrdreg $0xFFFFFFFF  }
0xad: {  	s28 =	simm.s32 $_size_execute0_lowered;
	s4 =	sadd.s32 s4, s6;
	[dreg:$0x0] =	wrdreg $0x0  }
0xae: {  	s6 =	sshll.u32 s28, $0x1;
	[dreg:$0x2] =	wrdreg s4  }
0xaf: {  	[dreg:$0x3] =	wrdreg s6  }
0xb0: {  	[dreg:$0x4] =	wrdreg $0xC0  }
0xb1: {  	_ =	task [dreg:s8], $0x5FFFF  }
0xb2: {  	[dreg:$0x1] =	wrdreg $0xFFFFFFFF  }
0xb3: {  	[dreg:$0x0] =	wrdreg $0x60  }
0xb4: {  	[dreg:$0x2] =	wrdreg s15  }
0xb5: {  	[dreg:$0x3] =	wrdreg s16  }
0xb6: {  	[dreg:$0x4] =	wrdreg s24  }
0xb7: {  	[dreg:$0x5] =	wrdreg $0x9  }
0xb8: {  	_ =	task.clear_ibuf [dreg:s8], $0x6FFFF;
	_ =	strace $0x90000046  }
0xb9: {  	s29 =	simm.s32 $0x9;
	_ =	strace $0x80000048  }
0xba: {  	_ =	swait.ge [sflag:s29], $0x1  }
0xbb: {  	[sflag:s29] =	ssyncadd.s32 $0xFFFFFFFF  }
0xbc: {  	_ =	strace $0x90000048  }
0xbd: {  	_ =	sfence  }
0xbe: {  	s30 =	sld [smem:$0x0];
	_ =	sdelay $0x2  }
0xbf: {  	s31 =	sshll.u32 s1, $0xD;
	s1 =	sshrl.u32 s1, $0x2  }
0xc0: {  	s3 =	sand.u32 $0x4000, s31;
	s1 =	sadd.s32 s1, s30  }
0xc1: {  	s0 =	sor.u32 s3, s0;
	s1 =	sshll.u32 s1, $0x11  }
0xc2: {  	s0 =	sor.u32 s1, s0  }
0xc3: {  	s0 =	sadd.s32 $0x8F2B, s0  }
0xc4: {  	[sflag:s0] =	ssyncadd.remote.s32 $0x1  }
0xc5: {  	_ =	sfence.sel $0xFFFF  }
0xc6: {  	[dreg:$0x0] =	wrdreg $0xFFFFFFFF;
	(pc) =	sbr.abs _section_cstart, $3  }
0xc7: {  	[dreg:$0x1] =	wrdreg $0xFFFFFFFF  }
0xc8: {  	_ =	task.clear_ibuf [dreg:s8], $0x2FFFF;
	_ =	strace $0x9FFFFFFF  }
0xc9: {  	(tm) =	ssettm $0x7FFFFFFF  }
tec
execute0_lowered:
.L_overlay_start_1:
0x0: {  	(tag) =	ssettag $0x1  }
0x1: {  	s2 =	srdreg.scid;
	s1 =	rddreg [dreg:$0x0]  }
0x2: {  	s0 =	stileid.u32;
	s3 =	rddreg [dreg:$0x1]  }
0x3: {  	s9 =	rddreg [dreg:$0x2];
	s5 =	simm.s32 $0x0;
	s11 =	simm.s32 $0x2D00  }
0x4: {  	s12 =	simm.s32 $0x5;
	s13 =	simm.s32 $0xD00;
	s14 =	simm.s32 $0x1D00  }
0x5: {  	s15 =	simm.s32 $0x80;
	s16 =	simm.s32 $0x400;
	s6 =	sand.u32 $0x1, s2  }
0x6: {  	s17 =	simm.s32 $0x680;
	s31 =	sshll.u32 s0, $0x8;
	s4 =	sshll.u32 s6, $0x7  }
0x7: {  	v0 =	vlaneseq.u32;
	s18 =	simm.s32 $0x1;
	s19 =	simm.s32 $0x2;
	s4 =	sor.u32 s4, s31  }
0x8: {  	v2 =	vimm.s32 $0xEFF;
	vm0 =	vcmask $0x300;
	v3 =	vimm.s32 $0x16;
	s20 =	simm.s32 $0x3;
	s21 =	simm.s32 $0x4;
	s7 =	sshrl.u32 s4, $0x3  }
0x9: {  	v4 =	vimm.s32 $0x0;
	v11 =	vimm.s32 $0xD7F;
	[smem:$0x7FF] =	sst s5;
	v1 =	vmul.u32 $0x3, v0;
	s8 =	ssub.s32 $0x2, s6;
	s7 =	smul.u32 $0x600, s7  }
0xa: {  	s22 =	simm.s32 $0x0;
	v2 =	vsel vm0, $0xE7F, v2;
	v10 =	vmul.u32 $0xFFFFFFFF, v0;
	v11 =	vsel vm0, $0xCFF, v11;
	_ =	strace $0x80000047;
	s10 =	sshrl.u32 s8, $0x1  }
0xb: {  	s6 =	sadd.s32 $0x600, s9;
	v5 =	vadd.s32 $0x1, v1;
	v6 =	vadd.s32 $0x2, v1;
	v7 =	vadd.s32 $0x3, v1;
	s10 =	ssub.s32 s8, s10;
	s7 =	sadd.s32 s1, s7  }
0xc: {  	s9 =	sadd.s32 $0x800, s9;
	v8 =	vadd.s32 $0x4, v1;
	v9 =	vadd.s32 $0x1FF, v10;
	v10 =	vadd.s32 $0x1FE, v10;
	s10 =	smax.u32 s10, $0x1;
	s8 =	sadd.s32 $0x10, s7  }
.LBB2_1:
0xd: {  	[tilespmem:s11], [sflag:$0x5] =	stream.linear.gather [hbm4b:s3+s5], $0xC80, $0x38;
	[tilespmem:$0x3980] =	vst v63  }
0xe: {  	_ =	swait.ge [sflag:s12], $0xC80  }
0xf: {  	[sflag:s12] =	ssyncset.done $0x0  }
0x10: {  	[sflag:s12] =	ssyncadd.s32 $0xFFFFF380  }
0x11: {  	[tilespmem:v2+s13+$0x0] =	vst.idx.msk $0x3, v3  }
0x12: {  	[tilespmem:v2+s14+$0x0] =	vst.idx.msk $0x3, v3  }
0x13: {  	[tilespmem:$0x600] =	vst v4  }
0x14: {  	[tilespmem:$0xC80] =	vst v4  }
0x15: {  	[tilespmem:s5], [sflag:$0x1] =	stream.strided.gather [hbm4b:s7+s15], $0x600, s16, s15, $0x38;
	[tilespmem:$0x3980] =	vst v63  }
0x16: {  	s23 =	simm.s32 $0x0  }
0x17: {  	[tilespmem:s17], [sflag:$0x2] =	stream.strided.gather [hbm4b:s8+s15], $0x600, s16, s15, $0x38;
	[tilespmem:$0x3980] =	vst v63  }
.LBB2_2:
0x18: {  	_ =	swait.ge [sflag:s18], $0x600;
	s24 =	simm.s32 $0x90  }
0x19: {  	p0 =	seq.s32 s23, $0x0;
	s25 =	simm.s32 $0x60;
	[sflag:s18] =	ssyncset.done $0x0;
	v12 =	vadd.s32 s24, v1  }
0x1a: {  	s26 =	simm.s32 @!p0 $0x3;
	v13 =	vadd.s32 s25, v1;
	[sflag:s18] =	ssyncadd.s32 $0xFFFFFA00  }
0x1b: {  	s28 =	simm.s32 $0x0;
	v14 =	vadd.s32 s25, v5;
	_ =	swait.ge @!p0 [sflag:s26], $0x1000  }
0x1c: {  	v15 =	vor.u32 s28, v1;
	[sflag:s26] =	ssyncset.done @!p0 $0x0  }
0x1d: {  	v16 =	vadd.s32 s25, v6;
	[sflag:s26] =	ssyncadd.s32 @!p0 $0xFFFFF000  }
0x1e: {  	v17 =	vadd.s32 s25, v7;
	v12 =	vld.idx.msk [tilespmem:v12+s5+$0x0], $0xffff  }
0x1f: {  	v18 =	vor.u32 s28, v5;
	v13 =	vld.idx.msk [tilespmem:v13+s5+$0x0], $0xffff  }
0x20: {  	s2 =	simm.s32 $0x30;
	v19 =	vadd.s32 s25, v8;
	v14 =	vld.idx.msk [tilespmem:v14+s5+$0x0], $0xffff  }
0x21: {  	v27 =	vadd.s32 s2, v7;
	v15 =	vld.idx.msk [tilespmem:v15+s5+$0x0], $0xffff  }
0x22: {  	v20 =	vadd.s32 s2, v1;
	v16 =	vld.idx.msk [tilespmem:v16+s5+$0x0], $0xffff  }
0x23: {  	v23 =	vor.u32 s28, v6;
	v17 =	vld.idx.msk [tilespmem:v17+s5+$0x0], $0xffff  }
0x24: {  	v21 =	vadd.s32 s2, v5;
	v18 =	vld.idx.msk [tilespmem:v18+s5+$0x0], $0xffff  }
0x25: {  	v22 =	vadd.s32 s24, v5;
	v19 =	vld.idx.msk [tilespmem:v19+s5+$0x0], $0xffff  }
0x26: {  	v27 =	vld.idx.msk [tilespmem:v27+s5+$0x0], $0xffff  }
0x27: {  	v24 =	vadd.s32 s2, v6;
	v20 =	vld.idx.msk [tilespmem:v20+s5+$0x0], $0xffff  }
0x28: {  	v25 =	vadd.s32 s24, v6;
	v23 =	vld.idx.msk [tilespmem:v23+s5+$0x0], $0xffff;
	v13 =	vmul.u32 $0x19, v13;
	v14 =	vmul.u32 $0x5, v14  }
0x29: {  	v26 =	vor.u32 s28, v7;
	v28 =	vadd.s32 s24, v7;
	v29 =	vadd.s32 s24, v8;
	v21 =	vld.idx.msk [tilespmem:v21+s5+$0x0], $0xffff  }
0x2a: {  	v15 =	vmul.u32 $0x19, v15;
	v18 =	vmul.u32 $0x5, v18;
	v13 =	vadd.s32 v13, v14;
	v14 =	vld.idx.msk [tilespmem:v22+s5+$0x0], $0xffff  }
0x2b: {  	v12 =	vmul.u32 $0x19, v12;
	v27 =	vmul.u32 $0x5, v27;
	v22 =	vor.u32 s28, v8  }
0x2c: {  	v15 =	vadd.s32 v15, v18;
	v13 =	vadd.s32 v16, v13;
	v16 =	vmul.u32 $0x5, v17  }
0x2d: {  	s26 =	simm.s32 $0x20;
	v24 =	vld.idx.msk [tilespmem:v24+s5+$0x0], $0xffff;
	v17 =	vadd.s32 s2, v8;
	v15 =	vadd.s32 v23, v15;
	v13 =	vmul.u32 $0x19, v13  }
0x2e: {  	v16 =	vadd.s32 v19, v16;
	v19 =	vmul.u32 $0x19, v20;
	v20 =	vor.u32 s26, v0  }
0x2f: {  	s25 =	simm.s32 $0x30;
	v25 =	vld.idx.msk [tilespmem:v25+s5+$0x0], $0xffff;
	v13 =	vadd.s32 v13, v16;
	v16 =	vmul.u32 $0x5, v21;
	v14 =	vmul.u32 $0x5, v14  }
0x30: {  	v18 =	vmov s25;
	v15 =	vmul.u32 $0x19, v15;
	vm0 =	vlt.u32 v20, $0x1FF  }
0x31: {  	v16 =	vadd.s32 v19, v16;
	v19 =	vmov s26;
	v12 =	vadd.s32 v12, v14  }
0x32: {  	v14 =	vadd.s32 v24, v16;
	v16 =	vand.u32 $0x6F, v20;
	v21 =	vshll.u32 v19, $0x3  }
0x33: {  	v17 =	vld.idx.msk [tilespmem:v17+s5+$0x0], $0xffff;
	v23 =	vsub.s32 v9, v19;
	v19 =	vsub.s32 v10, v19;
	v21 =	vand.u32 $0xC00, v21  }
0x34: {  	v24 =	vld.idx.msk [tilespmem:v26+s5+$0x0], $0xffff;
	v26 =	vand.u32 $0x5F, v19;
	v19 =	vshll.u32 v19, $0x3;
	v12 =	vadd.s32 v25, v12  }
0x35: {  	v14 =	vmul.u32 $0x19, v14;
	v21 =	vor.u32 v16, v21;
	v16 =	vshll.u32 v23, $0x3  }
0x36: {  	v19 =	vand.u32 $0xC00, v19;
	v12 =	vmul.u32 $0x19, v12;
	v16 =	vand.u32 $0xC00, v16  }
0x37: {  	v13 =	vld.idx.msk [tilespmem:v13+s11+$0x0], $0xffff;
	v30 =	vor.u32 $0x80, v21;
	v35 =	vor.u32 $0x100, v21;
	v16 =	vor.u32 v16, v23  }
0x38: {  	v17 =	vadd.s32 v17, v27;
	v27 =	vsub.s32 v10, v18;
	v20 =	vor.u32 $0x180, v16  }
0x39: {  	s29 =	simm.s32 $0x0;
	v16 =	vor.u32 v26, v19;
	v24 =	vmul.u32 $0x5, v24;
	v17 =	vadd.s32 v14, v17  }
0x3a: {  	v14 =	vmov s29;
	v39 =	vshll.u32 v27, $0x3;
	v54 =	vand.u32 $0x7F, v27  }
0x3b: {  	v23 =	vld.idx.msk [tilespmem:v28+s5+$0x0], $0xffff;
	v36 =	vor.u32 $0x280, v16;
	v40 =	vor.u32 $0x200, v16;
	v43 =	vsub.s32 v9, v14  }
0x3c: {  	v19 =	vld.idx.msk [tilespmem:v22+s5+$0x0], $0xffff;
	v50 =	vand.u32 $0xFFFFFC00, v39;
	v22 =	vand.u32 $0x1F, v13;
	v26 =	vshrl.u32 v13, $0xA  }
0x3d: {  	v16 =	vld.idx.msk [tilespmem:v29+s5+$0x0], $0xffff;
	v28 =	vshrl.u32 v13, $0x14;
	v29 =	vshrl.u32 v13, $0x5;
	v25 =	vshrl.u32 v13, $0xF  }
0x3e: {  	v42 =	vshrl.u32 v13, $0x19;
	v47 =	vshll.u32 v43, $0x3;
	v26 =	vand.u32 $0x1F, v26  }
0x3f: {  	v37 =	vand.u32 $0x1F, v28;
	v38 =	vand.u32 $0x1F, v29;
	v41 =	vand.u32 $0x1F, v25  }
0x40: {  	v29 =	vsub.s32 v9, v18;
	v28 =	vshll.u32 v14, $0x3;
	v18 =	vshll.u32 v18, $0x3  }
0x41: {  	[tilespmem:v21+s13+$0x0] =	vst.idx.msk $0xffff, v22;
	v23 =	vmul.u32 $0x5, v23;
	v34 =	vshll.u32 v29, $0x3;
	v28 =	vand.u32 $0xC00, v28  }
0x42: {  	v18 =	vand.u32 $0xC00, v18;
	[tilespmem:v30+s13+$0x0] =	vst.idx.msk $0xffff, v26;
	v13 =	vadd.s32 v19, v24;
	v49 =	vand.u32 $0xC00, v34  }
0x43: {  	s30 =	simm.s32 $0x10;
	[tilespmem:v35+s13+$0x0] =	vst.idx.msk $0xffff, v37;
	v37 =	vand.u32 $0xD80, v47;
	v15 =	vadd.s32 v15, v13;
	v13 =	vadd.s32 v16, v23  }
0x44: {  	v16 =	vmov s30;
	v23 =	vsub.s32 v10, v14;
	v14 =	vor.u32 s29, v0  }
0x45: {  	v22 =	vor.u32 v49, v29;
	[tilespmem:v20+s13+$0x0] =	vst.idx.msk $0xffff, v38;
	v38 =	vand.u32 $0x7F, v43;
	v20 =	vor.u32 v54, v50  }
0x46: {  	v19 =	vadd.s32 v12, v13;
	v24 =	vsub.s32 v9, v16;
	v25 =	vsub.s32 v10, v16  }
0x47: {  	v17 =	vld.idx.msk [tilespmem:v17+s11+$0x0], $0xffff;
	v12 =	vshll.u32 v23, $0x3;
	v33 =	vshll.u32 v16, $0x3;
	v13 =	vor.u32 s30, v0  }
0x48: {  	v23 =	vand.u32 $0x7F, v23;
	v31 =	vshll.u32 v24, $0x3;
	v32 =	vshll.u32 v25, $0x3  }
0x49: {  	v44 =	vand.u32 $0xC00, v12;
	v12 =	vor.u32 s25, v0;
	v48 =	vand.u32 $0xC00, v33  }
0x4a: {  	v25 =	vand.u32 $0x7F, v25;
	v51 =	vand.u32 $0x5F, v13;
	v45 =	vand.u32 $0xC00, v31  }
0x4b: {  	v46 =	vand.u32 $0xC00, v32;
	v53 =	vand.u32 $0x7F, v12;
	v27 =	vor.u32 v23, v44;
	v16 =	vld.idx.msk [tilespmem:v15+s11+$0x0], $0xffff  }
0x4c: {  	v30 =	vor.u32 v51, v48;
	v63 =	vshrl.u32 v17, $0x5;
	v58 =	vshrl.u32 v17, $0xA;
	v15 =	vld.idx.msk [tilespmem:v19+s11+$0x0], $0xffff  }
0x4d: {  	v34 =	vor.u32 v45, v24;
	v32 =	vshrl.u32 v17, $0xF;
	v39 =	vshrl.u32 v17, $0x14  }
0x4e: {  	v21 =	vor.u32 v53, v18;
	v26 =	vand.u32 $0x1F, v58;
	v19 =	vand.u32 $0x4F, v14  }
0x4f: {  	v31 =	vor.u32 v19, v28;
	v28 =	vor.u32 v25, v46;
	v19 =	vand.u32 $0x1F, v63  }
0x50: {  	v52 =	vshrl.u32 v16, $0x5;
	v55 =	vshrl.u32 v16, $0xA;
	v56 =	vshrl.u32 v16, $0xF  }
0x51: {  	v57 =	vshrl.u32 v16, $0x14;
	v25 =	vshrl.u32 v15, $0x5;
	v33 =	vshrl.u32 v15, $0xA  }
0x52: {  	s31 =	sshll.u32 s23, $0x1;
	[tilespmem:v36+s13+$0x0] =	vst.idx.msk vm0, v41;
	v24 =	vshrl.u32 v15, $0xF;
	v29 =	vshrl.u32 v15, $0x14;
	v23 =	vand.u32 $0x1F, v52  }
0x53: {  	s24 =	sadd.s32 s4, s31;
	s28 =	simm.s32 $0x150;
	s26 =	simm.s32 $0x0;
	[tilespmem:v40+s13+$0x0] =	vst.idx.msk vm0, v42;
	v35 =	vand.u32 $0x1F, v55;
	v18 =	vand.u32 $0x1F, v56;
	v36 =	vand.u32 $0x1F, v57  }
.LBB2_3:
0x54: {  	s29 =	sadd.s32 $0xFFFFFF70, s28;
	s30 =	sadd.s32 $0xFFFFFFA0, s28;
	s31 =	sadd.s32 $0xFFFFFFD0, s28;
	v40 =	vadd.s32 s28, v1;
	v41 =	vadd.s32 s28, v5;
	v42 =	vadd.s32 s28, v6  }
0x55: {  	v43 =	vor.u32 s29, v1;
	v44 =	vor.u32 s29, v5;
	v45 =	vadd.s32 s31, v1  }
0x56: {  	v46 =	vadd.s32 s30, v1;
	v47 =	vadd.s32 s30, v5;
	v48 =	vadd.s32 s31, v5  }
0x57: {  	v49 =	vor.u32 s29, v6;
	v50 =	vor.u32 s29, v7;
	v51 =	vadd.s32 s30, v6  }
0x58: {  	v54 =	vadd.s32 s28, v7;
	v52 =	vadd.s32 s30, v7;
	v53 =	vadd.s32 s31, v6  }
0x59: {  	s26 =	sadd.s32 $0x4, s26;
	v55 =	vor.u32 s29, v8;
	v56 =	vadd.s32 s30, v8;
	v57 =	vadd.s32 s31, v7;
	v40 =	vld.idx.msk [tilespmem:v40+s5+$0x0], $0xffff  }
0x5a: {  	v58 =	vadd.s32 s28, v8;
	v32 =	vand.u32 $0x1F, v32;
	v39 =	vand.u32 $0x1F, v39;
	p1 =	slt.u32 s26, $0x1C;
	v45 =	vld.idx.msk [tilespmem:v45+s5+$0x0], $0xffff  }
0x5b: {  	v60 =	vand.u32 $0x1F, v16;
	v61 =	vshrl.u32 v16, $0x19;
	v59 =	vadd.s32 s31, v8;
	v48 =	vld.idx.msk [tilespmem:v48+s5+$0x0], $0xffff  }
0x5c: {  	v16 =	vand.u32 $0x1F, v17;
	v43 =	vld.idx.msk [tilespmem:v43+s5+$0x0], $0xffff;
	[tilespmem:v31+s13+$0x0] =	vst.idx.msk $0xffff, v60;
	v60 =	vshrl.u32 v17, $0x19;
	v17 =	vand.u32 $0x1F, v25  }
0x5d: {  	v33 =	vand.u32 $0x1F, v33;
	v25 =	vld.idx.msk [tilespmem:v53+s5+$0x0], $0xffff;
	[tilespmem:v30+s13+$0x0] =	vst.idx.msk $0xffff, v16;
	v16 =	vand.u32 $0x1F, v24;
	v24 =	vand.u32 $0x1F, v29  }
0x5e: {  	v53 =	vor.u32 $0x280, v27;
	v29 =	vld.idx.msk [tilespmem:v57+s5+$0x0], $0xffff;
	v57 =	vand.u32 $0x1F, v15;
	v15 =	vshrl.u32 v15, $0x19  }
0x5f: {  	v34 =	vor.u32 $0x180, v34;
	v27 =	vor.u32 $0x200, v27;
	v40 =	vmul.u32 $0x19, v40;
	v44 =	vld.idx.msk [tilespmem:v44+s5+$0x0], $0xffff;
	[tilespmem:v21+s13+$0x0] =	vst.idx.msk $0xffff, v57  }
0x60: {  	v62 =	vor.u32 $0x280, v28;
	v28 =	vor.u32 $0x200, v28;
	v57 =	vld.idx.msk [tilespmem:v59+s5+$0x0], $0xffff;
	v59 =	vor.u32 $0x80, v31  }
0x61: {  	v45 =	vmul.u32 $0x19, v45;
	v48 =	vmul.u32 $0x5, v48;
	v31 =	vor.u32 $0x100, v31;
	v46 =	vld.idx.msk [tilespmem:v46+s5+$0x0], $0xffff  }
0x62: {  	v37 =	vor.u32 v38, v37;
	v38 =	vor.u32 $0x80, v30;
	v43 =	vmul.u32 $0x19, v43;
	v47 =	vld.idx.msk [tilespmem:v47+s5+$0x0], $0xffff  }
0x63: {  	v22 =	vor.u32 $0x180, v22;
	v30 =	vor.u32 $0x100, v30;
	v45 =	vadd.s32 v45, v48;
	v41 =	vld.idx.msk [tilespmem:v41+s5+$0x0], $0xffff  }
0x64: {  	v25 =	vadd.s32 v25, v45;
	v29 =	vmul.u32 $0x5, v29;
	v45 =	vor.u32 $0x280, v20;
	v48 =	vld.idx.msk [tilespmem:v49+s5+$0x0], $0xffff  }
0x65: {  	v20 =	vor.u32 $0x200, v20;
	v44 =	vmul.u32 $0x5, v44;
	v25 =	vmul.u32 $0x19, v25;
	v49 =	vld.idx.msk [tilespmem:v50+s5+$0x0], $0xffff;
	[tilespmem:v59+s13+$0x0] =	vst.idx.msk $0xffff, v35  }
0x66: {  	v29 =	vadd.s32 v57, v29;
	v35 =	vld.idx.msk [tilespmem:v51+s5+$0x0], $0xffff;
	[tilespmem:v31+s13+$0x0] =	vst.idx.msk $0xffff, v36;
	v31 =	vor.u32 $0x80, v21;
	v21 =	vor.u32 $0x100, v21  }
0x67: {  	v36 =	vadd.s32 v43, v44;
	v44 =	vmul.u32 $0x19, v46;
	v25 =	vadd.s32 v25, v29;
	v43 =	vld.idx.msk [tilespmem:v52+s5+$0x0], $0xffff  }
0x68: {  	vm2 =	vlt.u32 v14, $0x1FF;
	vm1 =	vlt.u32 v13, $0x1FF;
	v29 =	vmul.u32 $0x5, v47;
	v42 =	vld.idx.msk [tilespmem:v42+s5+$0x0], $0xffff;
	[tilespmem:v37+s13+$0x0] =	vst.idx.msk $0xffff, v23  }
0x69: {  	vm0 =	vlt.u32 v12, $0x1FF;
	s25 =	sadd.s32 $0x40, s25;
	v14 =	vmul.u32 $0x5, v41;
	v13 =	vld.idx.msk [tilespmem:v54+s5+$0x0], $0xffff;
	[tilespmem:v38+s13+$0x0] =	vst.idx.msk $0xffff, v26  }
0x6a: {  	s29 =	sadd.s32 $0xFFFFFFD0, s25;
	s30 =	sadd.s32 $0xFFFFFFE0, s25;
	s31 =	sadd.s32 $0xFFFFFFF0, s25;
	v23 =	vadd.s32 v48, v36;
	v26 =	vadd.s32 v44, v29;
	v29 =	vmov s25;
	v12 =	vld.idx.msk [tilespmem:v55+s5+$0x0], $0xffff;
	[tilespmem:v30+s13+$0x0] =	vst.idx.msk $0xffff, v39  }
0x6b: {  	v37 =	vor.u32 s31, v0;
	v36 =	vmov s31;
	v14 =	vadd.s32 v40, v14;
	v30 =	vld.idx.msk [tilespmem:v56+s5+$0x0], $0xffff;
	[tilespmem:v34+s13+$0x0] =	vst.idx.msk $0xffff, v19  }
0x6c: {  	v19 =	vadd.s32 v35, v26;
	v26 =	vand.u32 $0x6F, v37;
	v34 =	vshll.u32 v36, $0x3;
	v25 =	vld.idx.msk [tilespmem:v25+s11+$0x0], $0xffff;
	[tilespmem:v31+s13+$0x0] =	vst.idx.msk $0xffff, v33  }
0x6d: {  	v31 =	vand.u32 $0xC00, v34;
	v33 =	vsub.s32 v9, v36;
	v34 =	vsub.s32 v10, v36;
	v35 =	vld.idx.msk [tilespmem:v58+s5+$0x0], $0xffff  }
0x6e: {  	v26 =	vor.u32 v26, v31;
	v31 =	vshll.u32 v33, $0x3;
	v36 =	vand.u32 $0x5F, v34;
	[tilespmem:v53+s13+$0x0] =	vst.idx.msk vm2, v18  }
0x6f: {  	v34 =	vshll.u32 v34, $0x3;
	v18 =	vor.u32 $0x80, v26;
	v31 =	vand.u32 $0xC00, v31;
	[tilespmem:v27+s13+$0x0] =	vst.idx.msk vm2, v61  }
0x70: {  	v27 =	vor.u32 $0x100, v26;
	v31 =	vor.u32 v31, v33;
	v33 =	vand.u32 $0xC00, v34;
	[tilespmem:v62+s13+$0x0] =	vst.idx.msk vm1, v32  }
0x71: {  	vm2 =	vlt.u32 v37, $0x1FF;
	v31 =	vor.u32 $0x180, v31;
	v32 =	vor.u32 v36, v33;
	[tilespmem:v28+s13+$0x0] =	vst.idx.msk vm1, v60  }
0x72: {  	v28 =	vand.u32 $0x1F, v25;
	v33 =	vshrl.u32 v25, $0xA;
	v34 =	vor.u32 $0x280, v32;
	[tilespmem:v21+s13+$0x0] =	vst.idx.msk $0xffff, v24  }
0x73: {  	v21 =	vand.u32 $0x1F, v33;
	v24 =	vshrl.u32 v25, $0x14;
	[tilespmem:v26+s13+$0x0] =	vst.idx.msk $0xffff, v28;
	v26 =	vor.u32 $0x200, v32  }
0x74: {  	v14 =	vadd.s32 v42, v14;
	v28 =	vshrl.u32 v25, $0x5;
	v24 =	vand.u32 $0x1F, v24;
	[tilespmem:v18+s13+$0x0] =	vst.idx.msk $0xffff, v21  }
0x75: {  	v18 =	vmul.u32 $0x5, v49;
	v21 =	vand.u32 $0x1F, v28;
	v28 =	vshrl.u32 v25, $0xF;
	[tilespmem:v27+s13+$0x0] =	vst.idx.msk $0xffff, v24  }
0x76: {  	v13 =	vmul.u32 $0x5, v13;
	v24 =	vmul.u32 $0x5, v43;
	v27 =	vand.u32 $0x1F, v28;
	[tilespmem:v31+s13+$0x0] =	vst.idx.msk $0xffff, v21  }
0x77: {  	v19 =	vmul.u32 $0x19, v19;
	v21 =	vmul.u32 $0x19, v23;
	v23 =	vshrl.u32 v25, $0x19;
	[tilespmem:v34+s13+$0x0] =	vst.idx.msk vm2, v27  }
0x78: {  	v14 =	vmul.u32 $0x19, v14;
	v12 =	vadd.s32 v12, v18;
	v18 =	vadd.s32 v30, v24;
	[tilespmem:v26+s13+$0x0] =	vst.idx.msk vm2, v23  }
0x79: {  	v13 =	vadd.s32 v35, v13;
	v12 =	vadd.s32 v21, v12;
	v18 =	vadd.s32 v19, v18  }
0x7a: {  	v19 =	vmov s29;
	v21 =	vmov s30;
	v23 =	vadd.s32 v14, v13;
	[tilespmem:v22+s13+$0x0] =	vst.idx.msk $0xffff, v17  }
0x7b: {  	v26 =	vsub.s32 v9, v21;
	v24 =	vsub.s32 v10, v21;
	v22 =	vsub.s32 v10, v19  }
0x7c: {  	v35 =	vsub.s32 v9, v29;
	v27 =	vsub.s32 v10, v29;
	v25 =	vshll.u32 v22, $0x3;
	[tilespmem:v45+s13+$0x0] =	vst.idx.msk vm0, v16  }
0x7d: {  	v28 =	vshll.u32 v19, $0x3;
	v30 =	vshll.u32 v26, $0x3;
	v31 =	vshll.u32 v24, $0x3;
	[tilespmem:v20+s13+$0x0] =	vst.idx.msk vm0, v15  }
0x7e: {  	v19 =	vsub.s32 v9, v19;
	v20 =	vshll.u32 v21, $0x3;
	v21 =	vshll.u32 v35, $0x3;
	v16 =	vld.idx.msk [tilespmem:v12+s11+$0x0], $0xffff  }
0x7f: {  	v14 =	vor.u32 s29, v0;
	v13 =	vor.u32 s30, v0;
	v17 =	vld.idx.msk [tilespmem:v18+s11+$0x0], $0xffff;
	v18 =	vshll.u32 v27, $0x3  }
0x80: {  	v34 =	vand.u32 $0xC00, v25;
	v12 =	vor.u32 s25, v0;
	v15 =	vld.idx.msk [tilespmem:v23+s11+$0x0], $0xffff;
	v23 =	vshll.u32 v29, $0x3  }
0x81: {  	v28 =	vand.u32 $0xC00, v28;
	v30 =	vand.u32 $0xC00, v30;
	v36 =	vand.u32 $0xC00, v31  }
0x82: {  	v37 =	vshll.u32 v19, $0x3;
	v22 =	vand.u32 $0x7F, v22;
	v20 =	vand.u32 $0xC00, v20  }
0x83: {  	v38 =	vand.u32 $0x7F, v24;
	v21 =	vand.u32 $0xC00, v21;
	v18 =	vand.u32 $0xFFFFFC00, v18  }
0x84: {  	v40 =	vand.u32 $0x5F, v13;
	v31 =	vand.u32 $0x4F, v14;
	v23 =	vand.u32 $0xC00, v23  }
0x85: {  	v43 =	vand.u32 $0x7F, v27;
	v42 =	vand.u32 $0x7F, v12;
	v41 =	vshrl.u32 v16, $0x5  }
0x86: {  	v44 =	vshrl.u32 v16, $0xA;
	v45 =	vshrl.u32 v16, $0xF;
	v46 =	vshrl.u32 v16, $0x14  }
0x87: {  	v47 =	vshrl.u32 v17, $0x5;
	v48 =	vshrl.u32 v17, $0xA;
	v32 =	vshrl.u32 v17, $0xF  }
0x88: {  	v39 =	vshrl.u32 v17, $0x14;
	v25 =	vshrl.u32 v15, $0x5;
	v33 =	vshrl.u32 v15, $0xA  }
0x89: {  	v27 =	vor.u32 v22, v34;
	v24 =	vshrl.u32 v15, $0xF;
	v29 =	vshrl.u32 v15, $0x14  }
.Ltmp0:
0x8a: {  	v31 =	vor.u32 v31, v28;
	v28 =	vor.u32 v38, v36;
	v34 =	vor.u32 v30, v26;
	(pc) =	sbr.rel @p1 .LBB2_3-.Ltmp0, $4  }
0x8b: {  	v37 =	vand.u32 $0xD80, v37;
	v30 =	vor.u32 v40, v20;
	v22 =	vor.u32 v21, v35  }
0x8c: {  	v38 =	vand.u32 $0x7F, v19;
	v20 =	vor.u32 v43, v18;
	v21 =	vor.u32 v42, v23  }
0x8d: {  	v23 =	vand.u32 $0x1F, v41;
	v35 =	vand.u32 $0x1F, v44;
	v18 =	vand.u32 $0x1F, v45  }
0x8e: {  	s28 =	sadd.s32 $0xC0, s28;
	v36 =	vand.u32 $0x1F, v46;
	v19 =	vand.u32 $0x1F, v47;
	v26 =	vand.u32 $0x1F, v48  }
0x8f: {  	_ =	sdelay $0x1  }
0x90: {  	v40 =	vor.u32 $0x80, v31  }
0x91: {  	v41 =	vand.u32 $0x1F, v16;
	v57 =	vor.u32 $0x80, v30  }
0x92: {  	v42 =	vor.u32 $0x100, v31;
	[tilespmem:v31+s13+$0x0] =	vst.idx.msk $0xffff, v41;
	v31 =	vand.u32 $0x1F, v17  }
0x93: {  	v37 =	vor.u32 v38, v37;
	[tilespmem:v30+s13+$0x0] =	vst.idx.msk $0xffff, v31;
	v31 =	vand.u32 $0x1F, v15  }
0x94: {  	vm0 =	vlt.u32 v14, $0x1FF;
	v30 =	vor.u32 $0x100, v30;
	[tilespmem:v21+s13+$0x0] =	vst.idx.msk $0xffff, v31  }
0x95: {  	v14 =	vor.u32 $0x280, v27;
	[tilespmem:v40+s13+$0x0] =	vst.idx.msk $0xffff, v35  }
0x96: {  	v31 =	vor.u32 $0x180, v34;
	[tilespmem:v57+s13+$0x0] =	vst.idx.msk $0xffff, v26  }
0x97: {  	v58 =	vor.u32 $0x80, v21;
	[tilespmem:v42+s13+$0x0] =	vst.idx.msk $0xffff, v36  }
0x98: {  	v27 =	vor.u32 $0x200, v27;
	vm1 =	vlt.u32 v13, $0x1FF;
	[tilespmem:v37+s13+$0x0] =	vst.idx.msk $0xffff, v23;
	v23 =	vand.u32 $0x1F, v39  }
0x99: {  	v13 =	vor.u32 $0x280, v28;
	[tilespmem:v30+s13+$0x0] =	vst.idx.msk $0xffff, v23  }
0x9a: {  	v26 =	vor.u32 $0x200, v28;
	[tilespmem:v14+s13+$0x0] =	vst.idx.msk vm0, v18  }
0x9b: {  	v23 =	vand.u32 $0x1F, v33;
	[tilespmem:v31+s13+$0x0] =	vst.idx.msk $0xffff, v19;
	v19 =	vor.u32 $0x100, v21  }
0x9c: {  	v16 =	vshrl.u32 v16, $0x19;
	vm2 =	vlt.u32 v12, $0x1FF;
	[tilespmem:v58+s13+$0x0] =	vst.idx.msk $0xffff, v23;
	v21 =	vor.u32 $0x180, v22  }
0x9d: {  	v12 =	vand.u32 $0x1F, v32;
	s25 =	smin.u32 s24, $0xFFD;
	v14 =	vor.u32 $0x280, v20;
	[tilespmem:v27+s13+$0x0] =	vst.idx.msk vm0, v16  }
0x9e: {  	s25 =	sadd.s32 $0x2, s25;
	v16 =	vshrl.u32 v17, $0x19;
	v17 =	vor.u32 $0x200, v20;
	[tilespmem:v13+s13+$0x0] =	vst.idx.msk vm1, v12  }
0x9f: {  	s26 =	sshrl.u32 s25, $0x3;
	v12 =	vand.u32 $0x1F, v29;
	[tilespmem:v26+s13+$0x0] =	vst.idx.msk vm1, v16  }
0xa0: {  	s25 =	sshll.u32 s25, $0x7;
	s26 =	smul.u32 $0x3000, s26;
	v13 =	vand.u32 $0x1F, v25;
	[tilespmem:v19+s13+$0x0] =	vst.idx.msk $0xffff, v12  }
0xa1: {  	s25 =	sand.u32 $0x380, s25;
	v12 =	vand.u32 $0x1F, v24;
	[tilespmem:v21+s13+$0x0] =	vst.idx.msk $0xffff, v13  }
0xa2: {  	s25 =	sor.u32 s25, s26;
	v13 =	vshrl.u32 v15, $0x19;
	[tilespmem:v14+s13+$0x0] =	vst.idx.msk vm2, v12  }
0xa3: {  	s25 =	sshrl.u32 s25, $0x3;
	[tilespmem:v17+s13+$0x0] =	vst.idx.msk vm2, v13  }
0xa4: {  	s25 =	sadd.s32 s1, s25;
	[tilespmem:v11+s13+$0x0] =	vst.idx.msk $0x3, v3  }
0xa5: {  	[tilespmem:s5], [sflag:$0x1] =	stream.strided.gather [hbm4b:s25+s15], $0x600, s16, s15, $0x38;
	[tilespmem:$0x3980] =	vst v63  }
0xa6: {  	s25 =	sshll.u32 s24, $0x9  }
0xa7: {  	s30 =	sadd.s32 s6, s25  }
0xa8: {  	[hbm4b:s30+s5] =	stream.linear.scatter [tilespmem:s13], [sflag:$0x3], $0x1000, $0x38;
	[tilespmem:$0x3980] =	vst v63  }
0xa9: {  	s31 =	simm.s32 $0x90;
	_ =	swait.ge [sflag:s19], $0x600  }
0xaa: {  	s28 =	simm.s32 $0x60;
	v12 =	vadd.s32 s31, v1;
	[sflag:s19] =	ssyncset.done $0x0  }
0xab: {  	s29 =	simm.s32 @!p0 $0x4;
	v13 =	vadd.s32 s28, v1;
	[sflag:s19] =	ssyncadd.s32 $0xFFFFFA00  }
0xac: {  	v14 =	vadd.s32 s28, v5;
	s30 =	simm.s32 $0x0;
	_ =	swait.ge @!p0 [sflag:s29], $0x1000  }
0xad: {  	v15 =	vor.u32 s30, v1;
	[sflag:s29] =	ssyncset.done @!p0 $0x0  }
0xae: {  	v16 =	vadd.s32 s28, v6;
	[sflag:s29] =	ssyncadd.s32 @!p0 $0xFFFFF000  }
0xaf: {  	v18 =	vor.u32 s30, v5;
	v12 =	vld.idx.msk [tilespmem:v12+s17+$0x0], $0xffff  }
0xb0: {  	v17 =	vadd.s32 s28, v7;
	v13 =	vld.idx.msk [tilespmem:v13+s17+$0x0], $0xffff  }
0xb1: {  	v19 =	vadd.s32 s28, v8;
	v14 =	vld.idx.msk [tilespmem:v14+s17+$0x0], $0xffff  }
0xb2: {  	v23 =	vor.u32 s30, v6;
	s29 =	simm.s32 $0x30;
	v15 =	vld.idx.msk [tilespmem:v15+s17+$0x0], $0xffff  }
0xb3: {  	v20 =	vadd.s32 s29, v1;
	v16 =	vld.idx.msk [tilespmem:v16+s17+$0x0], $0xffff  }
0xb4: {  	v21 =	vadd.s32 s29, v5;
	v18 =	vld.idx.msk [tilespmem:v18+s17+$0x0], $0xffff  }
0xb5: {  	v22 =	vadd.s32 s31, v5;
	v17 =	vld.idx.msk [tilespmem:v17+s17+$0x0], $0xffff  }
0xb6: {  	v19 =	vld.idx.msk [tilespmem:v19+s17+$0x0], $0xffff;
	v27 =	vadd.s32 s29, v7  }
0xb7: {  	v28 =	vadd.s32 s31, v7;
	v23 =	vld.idx.msk [tilespmem:v23+s17+$0x0], $0xffff  }
0xb8: {  	v24 =	vadd.s32 s29, v6;
	v20 =	vld.idx.msk [tilespmem:v20+s17+$0x0], $0xffff;
	v13 =	vmul.u32 $0x19, v13;
	v14 =	vmul.u32 $0x5, v14  }
0xb9: {  	v25 =	vadd.s32 s31, v6;
	v21 =	vld.idx.msk [tilespmem:v21+s17+$0x0], $0xffff;
	v15 =	vmul.u32 $0x19, v15;
	v18 =	vmul.u32 $0x5, v18  }
0xba: {  	v29 =	vadd.s32 s31, v8;
	v26 =	vor.u32 s30, v7;
	v13 =	vadd.s32 v13, v14;
	v14 =	vld.idx.msk [tilespmem:v22+s17+$0x0], $0xffff  }
0xbb: {  	s26 =	simm.s32 $0x30;
	v12 =	vmul.u32 $0x19, v12;
	v27 =	vld.idx.msk [tilespmem:v27+s17+$0x0], $0xffff;
	v22 =	vor.u32 s30, v8;
	v15 =	vadd.s32 v15, v18  }
0xbc: {  	v18 =	vmov s26;
	v13 =	vadd.s32 v16, v13;
	v16 =	vmul.u32 $0x5, v17  }
0xbd: {  	s28 =	simm.s32 $0x20;
	v24 =	vld.idx.msk [tilespmem:v24+s17+$0x0], $0xffff;
	v17 =	vadd.s32 s29, v8;
	v15 =	vadd.s32 v23, v15;
	v13 =	vmul.u32 $0x19, v13  }
0xbe: {  	v16 =	vadd.s32 v19, v16;
	v19 =	vmul.u32 $0x19, v20;
	v20 =	vor.u32 s28, v0  }
0xbf: {  	v25 =	vld.idx.msk [tilespmem:v25+s17+$0x0], $0xffff;
	v13 =	vadd.s32 v13, v16;
	v16 =	vmul.u32 $0x5, v21;
	v14 =	vmul.u32 $0x5, v14  }
0xc0: {  	v15 =	vmul.u32 $0x19, v15;
	v27 =	vmul.u32 $0x5, v27;
	vm15 =	vlt.u32 v20, $0x1FF  }
0xc1: {  	v16 =	vadd.s32 v19, v16;
	v19 =	vmov s28;
	v12 =	vadd.s32 v12, v14  }
0xc2: {  	v14 =	vadd.s32 v24, v16;
	v16 =	vand.u32 $0x6F, v20;
	v21 =	vshll.u32 v19, $0x3  }
0xc3: {  	v17 =	vld.idx.msk [tilespmem:v17+s17+$0x0], $0xffff;
	v23 =	vsub.s32 v9, v19;
	v19 =	vsub.s32 v10, v19;
	v21 =	vand.u32 $0xC00, v21  }
0xc4: {  	v24 =	vld.idx.msk [tilespmem:v26+s17+$0x0], $0xffff;
	v26 =	vand.u32 $0x5F, v19;
	v19 =	vshll.u32 v19, $0x3;
	v12 =	vadd.s32 v25, v12  }
0xc5: {  	v14 =	vmul.u32 $0x19, v14;
	v21 =	vor.u32 v16, v21;
	v16 =	vshll.u32 v23, $0x3  }
0xc6: {  	v19 =	vand.u32 $0xC00, v19;
	v12 =	vmul.u32 $0x19, v12;
	v16 =	vand.u32 $0xC00, v16  }
0xc7: {  	v13 =	vld.idx.msk [tilespmem:v13+s11+$0x0], $0xffff;
	v30 =	vor.u32 $0x80, v21;
	v35 =	vor.u32 $0x100, v21;
	v16 =	vor.u32 v16, v23  }
0xc8: {  	v17 =	vadd.s32 v17, v27;
	v27 =	vsub.s32 v10, v18;
	v20 =	vor.u32 $0x180, v16  }
0xc9: {  	s28 =	simm.s32 $0x0;
	v16 =	vor.u32 v26, v19;
	v24 =	vmul.u32 $0x5, v24;
	v17 =	vadd.s32 v14, v17  }
0xca: {  	v14 =	vmov s28;
	v62 =	vshll.u32 v27, $0x3;
	v54 =	vand.u32 $0x7F, v27  }
0xcb: {  	v23 =	vld.idx.msk [tilespmem:v28+s17+$0x0], $0xffff;
	v36 =	vor.u32 $0x280, v16;
	v40 =	vor.u32 $0x200, v16;
	v43 =	vsub.s32 v9, v14  }
0xcc: {  	v19 =	vld.idx.msk [tilespmem:v22+s17+$0x0], $0xffff;
	v50 =	vand.u32 $0xFFFFFC00, v62;
	v22 =	vand.u32 $0x1F, v13;
	v26 =	vshrl.u32 v13, $0xA  }
0xcd: {  	v16 =	vld.idx.msk [tilespmem:v29+s17+$0x0], $0xffff;
	v28 =	vshrl.u32 v13, $0x14;
	v29 =	vshrl.u32 v13, $0x5;
	v25 =	vshrl.u32 v13, $0xF  }
0xce: {  	v42 =	vshrl.u32 v13, $0x19;
	v47 =	vshll.u32 v43, $0x3;
	v26 =	vand.u32 $0x1F, v26  }
0xcf: {  	v37 =	vand.u32 $0x1F, v28;
	v38 =	vand.u32 $0x1F, v29;
	v41 =	vand.u32 $0x1F, v25  }
0xd0: {  	v29 =	vsub.s32 v9, v18;
	v28 =	vshll.u32 v14, $0x3;
	v18 =	vshll.u32 v18, $0x3  }
0xd1: {  	[tilespmem:v21+s14+$0x0] =	vst.idx.msk $0xffff, v22;
	v23 =	vmul.u32 $0x5, v23;
	v61 =	vshll.u32 v29, $0x3;
	v28 =	vand.u32 $0xC00, v28  }
0xd2: {  	v18 =	vand.u32 $0xC00, v18;
	[tilespmem:v30+s14+$0x0] =	vst.idx.msk $0xffff, v26;
	v13 =	vadd.s32 v19, v24;
	v49 =	vand.u32 $0xC00, v61  }
0xd3: {  	s29 =	simm.s32 $0x10;
	[tilespmem:v35+s14+$0x0] =	vst.idx.msk $0xffff, v37;
	v37 =	vand.u32 $0xD80, v47;
	v15 =	vadd.s32 v15, v13;
	v13 =	vadd.s32 v16, v23  }
0xd4: {  	v16 =	vmov s29;
	v23 =	vsub.s32 v10, v14;
	v14 =	vor.u32 s28, v0  }
0xd5: {  	v22 =	vor.u32 v49, v29;
	[tilespmem:v20+s14+$0x0] =	vst.idx.msk $0xffff, v38;
	v38 =	vand.u32 $0x7F, v43;
	v20 =	vor.u32 v54, v50  }
0xd6: {  	v19 =	vadd.s32 v12, v13;
	v24 =	vsub.s32 v9, v16;
	v25 =	vsub.s32 v10, v16  }
0xd7: {  	v17 =	vld.idx.msk [tilespmem:v17+s11+$0x0], $0xffff;
	v12 =	vshll.u32 v23, $0x3;
	v60 =	vshll.u32 v16, $0x3;
	v13 =	vor.u32 s29, v0  }
0xd8: {  	v23 =	vand.u32 $0x7F, v23;
	v31 =	vshll.u32 v24, $0x3;
	v59 =	vshll.u32 v25, $0x3  }
0xd9: {  	v44 =	vand.u32 $0xC00, v12;
	v12 =	vor.u32 s26, v0;
	v48 =	vand.u32 $0xC00, v60  }
0xda: {  	v25 =	vand.u32 $0x7F, v25;
	v51 =	vand.u32 $0x5F, v13;
	v45 =	vand.u32 $0xC00, v31  }
0xdb: {  	v46 =	vand.u32 $0xC00, v59;
	v53 =	vand.u32 $0x7F, v12;
	v27 =	vor.u32 v23, v44;
	v16 =	vld.idx.msk [tilespmem:v15+s11+$0x0], $0xffff  }
0xdc: {  	v30 =	vor.u32 v51, v48;
	v63 =	vshrl.u32 v17, $0x5;
	v58 =	vshrl.u32 v17, $0xA;
	v15 =	vld.idx.msk [tilespmem:v19+s11+$0x0], $0xffff  }
0xdd: {  	v34 =	vor.u32 v45, v24;
	v32 =	vshrl.u32 v17, $0xF;
	v39 =	vshrl.u32 v17, $0x14  }
0xde: {  	v21 =	vor.u32 v53, v18;
	v26 =	vand.u32 $0x1F, v58;
	v19 =	vand.u32 $0x4F, v14  }
0xdf: {  	v31 =	vor.u32 v19, v28;
	v28 =	vor.u32 v25, v46;
	v19 =	vand.u32 $0x1F, v63  }
0xe0: {  	v52 =	vshrl.u32 v16, $0x5;
	v55 =	vshrl.u32 v16, $0xA;
	v56 =	vshrl.u32 v16, $0xF  }
0xe1: {  	v57 =	vshrl.u32 v16, $0x14;
	v25 =	vshrl.u32 v15, $0x5;
	v33 =	vshrl.u32 v15, $0xA  }
0xe2: {  	[tilespmem:v36+s14+$0x0] =	vst.idx.msk vm15, v41;
	v24 =	vshrl.u32 v15, $0xF;
	v29 =	vshrl.u32 v15, $0x14;
	v23 =	vand.u32 $0x1F, v52  }
0xe3: {  	s28 =	simm.s32 $0x0;
	s29 =	simm.s32 $0x150;
	[tilespmem:v40+s14+$0x0] =	vst.idx.msk vm15, v42;
	v35 =	vand.u32 $0x1F, v55;
	v18 =	vand.u32 $0x1F, v56;
	v36 =	vand.u32 $0x1F, v57  }
.LBB2_5:
0xe4: {  	s30 =	sadd.s32 $0xFFFFFF70, s29;
	s31 =	sadd.s32 $0xFFFFFFA0, s29;
	s2 =	sadd.s32 $0xFFFFFFD0, s29;
	v40 =	vadd.s32 s29, v1;
	v41 =	vadd.s32 s29, v5;
	v42 =	vadd.s32 s29, v6  }
0xe5: {  	v43 =	vor.u32 s30, v1;
	v44 =	vor.u32 s30, v5;
	v45 =	vadd.s32 s2, v1  }
0xe6: {  	v46 =	vadd.s32 s31, v1;
	v47 =	vadd.s32 s31, v5;
	v48 =	vadd.s32 s2, v5  }
0xe7: {  	v49 =	vor.u32 s30, v6;
	v50 =	vor.u32 s30, v7;
	v51 =	vadd.s32 s31, v6  }
0xe8: {  	v54 =	vadd.s32 s29, v7;
	v52 =	vadd.s32 s31, v7;
	v53 =	vadd.s32 s2, v6  }
0xe9: {  	s28 =	sadd.s32 $0x4, s28;
	v55 =	vor.u32 s30, v8;
	v56 =	vadd.s32 s31, v8;
	v57 =	vadd.s32 s2, v7;
	v40 =	vld.idx.msk [tilespmem:v40+s17+$0x0], $0xffff  }
0xea: {  	v58 =	vadd.s32 s29, v8;
	v32 =	vand.u32 $0x1F, v32;
	v39 =	vand.u32 $0x1F, v39;
	p0 =	slt.u32 s28, $0x1C;
	v45 =	vld.idx.msk [tilespmem:v45+s17+$0x0], $0xffff  }
0xeb: {  	v60 =	vand.u32 $0x1F, v16;
	v61 =	vshrl.u32 v16, $0x19;
	v59 =	vadd.s32 s2, v8;
	v48 =	vld.idx.msk [tilespmem:v48+s17+$0x0], $0xffff  }
0xec: {  	v16 =	vand.u32 $0x1F, v17;
	v43 =	vld.idx.msk [tilespmem:v43+s17+$0x0], $0xffff;
	[tilespmem:v31+s14+$0x0] =	vst.idx.msk $0xffff, v60;
	v60 =	vshrl.u32 v17, $0x19;
	v17 =	vand.u32 $0x1F, v25  }
0xed: {  	v33 =	vand.u32 $0x1F, v33;
	v25 =	vld.idx.msk [tilespmem:v53+s17+$0x0], $0xffff;
	[tilespmem:v30+s14+$0x0] =	vst.idx.msk $0xffff, v16;
	v16 =	vand.u32 $0x1F, v24;
	v24 =	vand.u32 $0x1F, v29  }
0xee: {  	v53 =	vor.u32 $0x280, v27;
	v29 =	vld.idx.msk [tilespmem:v57+s17+$0x0], $0xffff;
	v57 =	vand.u32 $0x1F, v15;
	v15 =	vshrl.u32 v15, $0x19  }
0xef: {  	v34 =	vor.u32 $0x180, v34;
	v27 =	vor.u32 $0x200, v27;
	v40 =	vmul.u32 $0x19, v40;
	v44 =	vld.idx.msk [tilespmem:v44+s17+$0x0], $0xffff;
	[tilespmem:v21+s14+$0x0] =	vst.idx.msk $0xffff, v57  }
0xf0: {  	v62 =	vor.u32 $0x280, v28;
	v28 =	vor.u32 $0x200, v28;
	v57 =	vld.idx.msk [tilespmem:v59+s17+$0x0], $0xffff;
	v59 =	vor.u32 $0x80, v31  }
0xf1: {  	v45 =	vmul.u32 $0x19, v45;
	v48 =	vmul.u32 $0x5, v48;
	v31 =	vor.u32 $0x100, v31;
	v46 =	vld.idx.msk [tilespmem:v46+s17+$0x0], $0xffff  }
0xf2: {  	v37 =	vor.u32 v38, v37;
	v38 =	vor.u32 $0x80, v30;
	v43 =	vmul.u32 $0x19, v43;
	v47 =	vld.idx.msk [tilespmem:v47+s17+$0x0], $0xffff  }
0xf3: {  	v22 =	vor.u32 $0x180, v22;
	v30 =	vor.u32 $0x100, v30;
	v45 =	vadd.s32 v45, v48;
	v41 =	vld.idx.msk [tilespmem:v41+s17+$0x0], $0xffff  }
0xf4: {  	v25 =	vadd.s32 v25, v45;
	v29 =	vmul.u32 $0x5, v29;
	v45 =	vor.u32 $0x280, v20;
	v48 =	vld.idx.msk [tilespmem:v49+s17+$0x0], $0xffff  }
0xf5: {  	v20 =	vor.u32 $0x200, v20;
	v44 =	vmul.u32 $0x5, v44;
	v25 =	vmul.u32 $0x19, v25;
	v49 =	vld.idx.msk [tilespmem:v50+s17+$0x0], $0xffff;
	[tilespmem:v59+s14+$0x0] =	vst.idx.msk $0xffff, v35  }
0xf6: {  	v29 =	vadd.s32 v57, v29;
	v35 =	vld.idx.msk [tilespmem:v51+s17+$0x0], $0xffff;
	[tilespmem:v31+s14+$0x0] =	vst.idx.msk $0xffff, v36;
	v31 =	vor.u32 $0x80, v21;
	v21 =	vor.u32 $0x100, v21  }
0xf7: {  	v36 =	vadd.s32 v43, v44;
	v44 =	vmul.u32 $0x19, v46;
	v25 =	vadd.s32 v25, v29;
	v43 =	vld.idx.msk [tilespmem:v52+s17+$0x0], $0xffff  }
0xf8: {  	vm2 =	vlt.u32 v14, $0x1FF;
	vm1 =	vlt.u32 v13, $0x1FF;
	v29 =	vmul.u32 $0x5, v47;
	v42 =	vld.idx.msk [tilespmem:v42+s17+$0x0], $0xffff;
	[tilespmem:v37+s14+$0x0] =	vst.idx.msk $0xffff, v23  }
0xf9: {  	vm0 =	vlt.u32 v12, $0x1FF;
	s26 =	sadd.s32 $0x40, s26;
	v14 =	vmul.u32 $0x5, v41;
	v13 =	vld.idx.msk [tilespmem:v54+s17+$0x0], $0xffff;
	[tilespmem:v38+s14+$0x0] =	vst.idx.msk $0xffff, v26  }
0xfa: {  	s30 =	sadd.s32 $0xFFFFFFD0, s26;
	s31 =	sadd.s32 $0xFFFFFFE0, s26;
	s2 =	sadd.s32 $0xFFFFFFF0, s26;
	v23 =	vadd.s32 v48, v36;
	v26 =	vadd.s32 v44, v29;
	v29 =	vmov s26;
	v12 =	vld.idx.msk [tilespmem:v55+s17+$0x0], $0xffff;
	[tilespmem:v30+s14+$0x0] =	vst.idx.msk $0xffff, v39  }
0xfb: {  	v37 =	vor.u32 s2, v0;
	v36 =	vmov s2;
	v14 =	vadd.s32 v40, v14;
	v30 =	vld.idx.msk [tilespmem:v56+s17+$0x0], $0xffff;
	[tilespmem:v34+s14+$0x0] =	vst.idx.msk $0xffff, v19  }
0xfc: {  	v19 =	vadd.s32 v35, v26;
	v26 =	vand.u32 $0x6F, v37;
	v34 =	vshll.u32 v36, $0x3;
	v25 =	vld.idx.msk [tilespmem:v25+s11+$0x0], $0xffff;
	[tilespmem:v31+s14+$0x0] =	vst.idx.msk $0xffff, v33  }
0xfd: {  	v31 =	vand.u32 $0xC00, v34;
	v33 =	vsub.s32 v9, v36;
	v34 =	vsub.s32 v10, v36;
	v35 =	vld.idx.msk [tilespmem:v58+s17+$0x0], $0xffff  }
0xfe: {  	v26 =	vor.u32 v26, v31;
	v31 =	vshll.u32 v33, $0x3;
	v36 =	vand.u32 $0x5F, v34;
	[tilespmem:v53+s14+$0x0] =	vst.idx.msk vm2, v18  }
0xff: {  	v34 =	vshll.u32 v34, $0x3;
	v18 =	vor.u32 $0x80, v26;
	v31 =	vand.u32 $0xC00, v31;
	[tilespmem:v27+s14+$0x0] =	vst.idx.msk vm2, v61  }
0x100: {  	v27 =	vor.u32 $0x100, v26;
	v31 =	vor.u32 v31, v33;
	v33 =	vand.u32 $0xC00, v34;
	[tilespmem:v62+s14+$0x0] =	vst.idx.msk vm1, v32  }
0x101: {  	vm2 =	vlt.u32 v37, $0x1FF;
	v31 =	vor.u32 $0x180, v31;
	v32 =	vor.u32 v36, v33;
	[tilespmem:v28+s14+$0x0] =	vst.idx.msk vm1, v60  }
0x102: {  	v28 =	vand.u32 $0x1F, v25;
	v33 =	vshrl.u32 v25, $0xA;
	v34 =	vor.u32 $0x280, v32;
	[tilespmem:v21+s14+$0x0] =	vst.idx.msk $0xffff, v24  }
0x103: {  	v21 =	vand.u32 $0x1F, v33;
	v24 =	vshrl.u32 v25, $0x14;
	[tilespmem:v26+s14+$0x0] =	vst.idx.msk $0xffff, v28;
	v26 =	vor.u32 $0x200, v32  }
0x104: {  	v14 =	vadd.s32 v42, v14;
	v28 =	vshrl.u32 v25, $0x5;
	v24 =	vand.u32 $0x1F, v24;
	[tilespmem:v18+s14+$0x0] =	vst.idx.msk $0xffff, v21  }
0x105: {  	v18 =	vmul.u32 $0x5, v49;
	v21 =	vand.u32 $0x1F, v28;
	v28 =	vshrl.u32 v25, $0xF;
	[tilespmem:v27+s14+$0x0] =	vst.idx.msk $0xffff, v24  }
0x106: {  	v13 =	vmul.u32 $0x5, v13;
	v24 =	vmul.u32 $0x5, v43;
	v27 =	vand.u32 $0x1F, v28;
	[tilespmem:v31+s14+$0x0] =	vst.idx.msk $0xffff, v21  }
0x107: {  	v19 =	vmul.u32 $0x19, v19;
	v21 =	vmul.u32 $0x19, v23;
	v23 =	vshrl.u32 v25, $0x19;
	[tilespmem:v34+s14+$0x0] =	vst.idx.msk vm2, v27  }
0x108: {  	v14 =	vmul.u32 $0x19, v14;
	v12 =	vadd.s32 v12, v18;
	v18 =	vadd.s32 v30, v24;
	[tilespmem:v26+s14+$0x0] =	vst.idx.msk vm2, v23  }
0x109: {  	v13 =	vadd.s32 v35, v13;
	v12 =	vadd.s32 v21, v12;
	v18 =	vadd.s32 v19, v18  }
0x10a: {  	v19 =	vmov s30;
	v21 =	vmov s31;
	v23 =	vadd.s32 v14, v13;
	[tilespmem:v22+s14+$0x0] =	vst.idx.msk $0xffff, v17  }
0x10b: {  	v26 =	vsub.s32 v9, v21;
	v24 =	vsub.s32 v10, v21;
	v22 =	vsub.s32 v10, v19  }
0x10c: {  	v35 =	vsub.s32 v9, v29;
	v27 =	vsub.s32 v10, v29;
	v25 =	vshll.u32 v22, $0x3;
	[tilespmem:v45+s14+$0x0] =	vst.idx.msk vm0, v16  }
0x10d: {  	v28 =	vshll.u32 v19, $0x3;
	v30 =	vshll.u32 v26, $0x3;
	v31 =	vshll.u32 v24, $0x3;
	[tilespmem:v20+s14+$0x0] =	vst.idx.msk vm0, v15  }
0x10e: {  	v19 =	vsub.s32 v9, v19;
	v20 =	vshll.u32 v21, $0x3;
	v21 =	vshll.u32 v35, $0x3;
	v16 =	vld.idx.msk [tilespmem:v12+s11+$0x0], $0xffff  }
0x10f: {  	v14 =	vor.u32 s30, v0;
	v13 =	vor.u32 s31, v0;
	v17 =	vld.idx.msk [tilespmem:v18+s11+$0x0], $0xffff;
	v18 =	vshll.u32 v27, $0x3  }
0x110: {  	v34 =	vand.u32 $0xC00, v25;
	v12 =	vor.u32 s26, v0;
	v15 =	vld.idx.msk [tilespmem:v23+s11+$0x0], $0xffff;
	v23 =	vshll.u32 v29, $0x3  }
0x111: {  	v28 =	vand.u32 $0xC00, v28;
	v30 =	vand.u32 $0xC00, v30;
	v36 =	vand.u32 $0xC00, v31  }
0x112: {  	v37 =	vshll.u32 v19, $0x3;
	v22 =	vand.u32 $0x7F, v22;
	v20 =	vand.u32 $0xC00, v20  }
0x113: {  	v38 =	vand.u32 $0x7F, v24;
	v21 =	vand.u32 $0xC00, v21;
	v18 =	vand.u32 $0xFFFFFC00, v18  }
0x114: {  	v40 =	vand.u32 $0x5F, v13;
	v31 =	vand.u32 $0x4F, v14;
	v23 =	vand.u32 $0xC00, v23  }
0x115: {  	v43 =	vand.u32 $0x7F, v27;
	v42 =	vand.u32 $0x7F, v12;
	v41 =	vshrl.u32 v16, $0x5  }
0x116: {  	v44 =	vshrl.u32 v16, $0xA;
	v45 =	vshrl.u32 v16, $0xF;
	v46 =	vshrl.u32 v16, $0x14  }
0x117: {  	v47 =	vshrl.u32 v17, $0x5;
	v48 =	vshrl.u32 v17, $0xA;
	v32 =	vshrl.u32 v17, $0xF  }
0x118: {  	v39 =	vshrl.u32 v17, $0x14;
	v25 =	vshrl.u32 v15, $0x5;
	v33 =	vshrl.u32 v15, $0xA  }
0x119: {  	v27 =	vor.u32 v22, v34;
	v24 =	vshrl.u32 v15, $0xF;
	v29 =	vshrl.u32 v15, $0x14  }
.Ltmp1:
0x11a: {  	v31 =	vor.u32 v31, v28;
	v28 =	vor.u32 v38, v36;
	v34 =	vor.u32 v30, v26;
	(pc) =	sbr.rel @p0 .LBB2_5-.Ltmp1, $4  }
0x11b: {  	v37 =	vand.u32 $0xD80, v37;
	v30 =	vor.u32 v40, v20;
	v22 =	vor.u32 v21, v35  }
0x11c: {  	v38 =	vand.u32 $0x7F, v19;
	v20 =	vor.u32 v43, v18;
	v21 =	vor.u32 v42, v23  }
0x11d: {  	v23 =	vand.u32 $0x1F, v41;
	v35 =	vand.u32 $0x1F, v44;
	v18 =	vand.u32 $0x1F, v45  }
0x11e: {  	s29 =	sadd.s32 $0xC0, s29;
	v36 =	vand.u32 $0x1F, v46;
	v19 =	vand.u32 $0x1F, v47;
	v26 =	vand.u32 $0x1F, v48  }
0x11f: {  	_ =	sdelay $0x1  }
0x120: {  	v40 =	vor.u32 $0x80, v31  }
0x121: {  	v41 =	vand.u32 $0x1F, v16;
	v43 =	vor.u32 $0x80, v30  }
0x122: {  	v63 =	vand.u32 $0x1F, v17;
	v46 =	vor.u32 $0x80, v21;
	[tilespmem:v31+s14+$0x0] =	vst.idx.msk $0xffff, v41  }
0x123: {  	v42 =	vor.u32 $0x100, v31;
	[tilespmem:v30+s14+$0x0] =	vst.idx.msk $0xffff, v63;
	v41 =	vand.u32 $0x1F, v15  }
0x124: {  	v44 =	vor.u32 $0x100, v30;
	[tilespmem:v21+s14+$0x0] =	vst.idx.msk $0xffff, v41  }
0x125: {  	v53 =	vor.u32 $0x100, v21;
	[tilespmem:v40+s14+$0x0] =	vst.idx.msk $0xffff, v35  }
0x126: {  	v37 =	vor.u32 v38, v37;
	v51 =	vand.u32 $0x1F, v33;
	[tilespmem:v43+s14+$0x0] =	vst.idx.msk $0xffff, v26  }
0x127: {  	v45 =	vor.u32 $0x180, v34;
	[tilespmem:v46+s14+$0x0] =	vst.idx.msk $0xffff, v51  }
0x128: {  	vm0 =	vlt.u32 v14, $0x1FF;
	v48 =	vand.u32 $0x1F, v39;
	v55 =	vor.u32 $0x180, v22;
	[tilespmem:v42+s14+$0x0] =	vst.idx.msk $0xffff, v36  }
0x129: {  	v47 =	vor.u32 $0x280, v27;
	vm1 =	vlt.u32 v13, $0x1FF;
	v60 =	vand.u32 $0x1F, v29;
	[tilespmem:v44+s14+$0x0] =	vst.idx.msk $0xffff, v48  }
0x12a: {  	v50 =	vor.u32 $0x280, v28;
	vm2 =	vlt.u32 v12, $0x1FF;
	[tilespmem:v53+s14+$0x0] =	vst.idx.msk $0xffff, v60  }
0x12b: {  	v57 =	vor.u32 $0x280, v20;
	[tilespmem:v37+s14+$0x0] =	vst.idx.msk $0xffff, v23  }
0x12c: {  	v49 =	vor.u32 $0x200, v27;
	v61 =	vand.u32 $0x1F, v25;
	[tilespmem:v45+s14+$0x0] =	vst.idx.msk $0xffff, v19  }
0x12d: {  	v52 =	vor.u32 $0x200, v28;
	s2 =	smin.u32 s24, $0xFFC;
	[tilespmem:v55+s14+$0x0] =	vst.idx.msk $0xffff, v61  }
0x12e: {  	v56 =	vand.u32 $0x1F, v32;
	v59 =	vor.u32 $0x200, v20;
	s2 =	sadd.s32 $0x3, s2;
	[tilespmem:v47+s14+$0x0] =	vst.idx.msk vm0, v18  }
0x12f: {  	v62 =	vand.u32 $0x1F, v24;
	s30 =	sshrl.u32 s2, $0x3;
	[tilespmem:v50+s14+$0x0] =	vst.idx.msk vm1, v56  }
0x130: {  	v54 =	vshrl.u32 v16, $0x19;
	s2 =	sshll.u32 s2, $0x7;
	s24 =	smul.u32 $0x3000, s30;
	[tilespmem:v57+s14+$0x0] =	vst.idx.msk vm2, v62  }
0x131: {  	v58 =	vshrl.u32 v17, $0x19;
	s23 =	sadd.s32 $0x1, s23;
	s2 =	sand.u32 $0x380, s2;
	[tilespmem:v49+s14+$0x0] =	vst.idx.msk vm0, v54  }
0x132: {  	v63 =	vshrl.u32 v15, $0x19;
	p0 =	sne.s32 s23, $0x40;
	s2 =	sor.u32 s2, s24;
	[tilespmem:v52+s14+$0x0] =	vst.idx.msk vm1, v58  }
.Ltmp2:
0x133: {  	s2 =	sshrl.u32 s2, $0x3;
	[tilespmem:v59+s14+$0x0] =	vst.idx.msk vm2, v63;
	(pc) =	sbr.rel @p0 .LBB2_2-.Ltmp2, $4  }
0x134: {  	s2 =	sadd.s32 s1, s2;
	[tilespmem:v11+s14+$0x0] =	vst.idx.msk $0x3, v3  }
0x135: {  	[tilespmem:s17], [sflag:$0x2] =	stream.strided.gather [hbm4b:s2+s15], $0x600, s16, s15, $0x38;
	[tilespmem:$0x3980] =	vst v63  }
0x136: {  	s31 =	sadd.s32 s25, s9  }
0x137: {  	[hbm4b:s31+s5] =	stream.linear.scatter [tilespmem:s14], [sflag:$0x4], $0x1000, $0x38;
	[tilespmem:$0x3980] =	vst v63  }
0x138: {  	_ =	swait.ge [sflag:s20], $0x1000  }
0x139: {  	[sflag:s20] =	ssyncset.done $0x0  }
0x13a: {  	[sflag:s20] =	ssyncadd.s32 $0xFFFFF000  }
0x13b: {  	_ =	swait.ge [sflag:s21], $0x1000  }
0x13c: {  	[sflag:s21] =	ssyncset.done $0x0  }
0x13d: {  	s22 =	sadd.s32 $0x1, s22;
	[sflag:s21] =	ssyncadd.s32 $0xFFFFF000  }
0x13e: {  	p0 =	sne.s32 s22, s10;
	_ =	swait.ge [sflag:s18], $0x600  }
.Ltmp3:
0x13f: {  	[sflag:s18] =	ssyncset.done $0x0;
	(pc) =	sbr.rel @p0 .LBB2_1-.Ltmp3, $4  }
0x140: {  	[sflag:s18] =	ssyncadd.s32 $0xFFFFFA00  }
0x141: {  	_ =	swait.ge [sflag:s19], $0x600  }
0x142: {  	[sflag:s19] =	ssyncset.done $0x0  }
0x143: {  	[sflag:s19] =	ssyncadd.s32 $0xFFFFFA00  }
0x144: {  	_ =	sfence.sel $0x180000  }
0x145: {  	[bflag:$0x0] =	sbarrier.arrive $0xFFFF  }
0x146: {  	_ =	strace $0x90000047  }
0x147: {  	[bflag:$0x2] =	sbarrier.arrive $0xFFFF  }
0x148: {  	p0 =	sne.s32 s0, $0x0;
	s0 =	rddreg [dreg:$0x3]  }
0x149: {  	s0 =	sadd.s32 @!p0 $0x100000, s0  }
0x14a: {  	[sflag:s0] =	ssyncadd.tile.s32 @!p0 $0x1;
	_ =	shalt  }
.Lfunc_end2:
_tile_overlayer_lowered:
.L_overlay_start_2:
0x14b: {  	(tag) =	ssettag $0x2  }
0x14c: {  	s0 =	rddreg [dreg:$0x0];
	s2 =	stileid.u32  }
0x14d: {  	s1 =	rddreg [dreg:$0x1];
	p0 =	sne.s32 s2, $0x0  }
0x14e: {  	s3 =	rddreg [dreg:$0x2];
	[bflag:$0x3] =	sbarrier.arrive $0xFFFF;
	s2 =	simm.s32 @!p0 $0x1C05  }
0x14f: {  	[timem:s3], [sflag:s2] =	dma.local @!p0 [hbm:s0], s1  }
0x150: {  	s0 =	simm.s32 @!p0 $0x5  }
0x151: {  	_ =	swait.ge @!p0 [sflag:s0], s1  }
0x152: {  	s1 =	ssub.s32 @!p0 $0x0, s1;
	[sflag:s0] =	ssyncset.done @!p0 $0x0  }
0x153: {  	[sflag:s0] =	ssyncadd.s32 @!p0 s1  }
0x154: {  	[bflag:$0x3] =	sbarrier.arrive $0xFFFF  }
0x155: {  	_ =	shalt  }

</sc_bundles>
